<compile_context>
chip_gen: v7x
topology: tpu7x:2x2x1
jax: 0.10.2.dev20260603
libtpu: 0.0.44.dev20260713+nightly
codegen_flags: <defaults>
</compile_context>

<pallas_src>
import functools

import jax
import jax.numpy as jnp
import numpy as np
from jax import lax
from jax.experimental import pallas as pl
from jax.experimental.pallas import tpu as pltpu
from jax.experimental.pallas import tpu_sc as plsc

N_NODES = 10000
N_EDGES = 320000
D_NODE = 128
D_EDGE = 16
D_OUT = 128

NC = 2
NS = 16
NW = NC * NS
EPW = N_EDGES // NW
EB = 40
NB = EPW // EB
N_PAD = 10240
ROWS_PER_TILE = N_PAD // NS


def _prep_body(x_ref, w1ab_ref, p_ref, q_ref):
    w1a = w1ab_ref[0:D_NODE, :]
    w1b = w1ab_ref[D_NODE:2 * D_NODE, :]
    x = x_ref[...]
    p_ref[...] = jnp.dot(x, w1a - w1b, preferred_element_type=jnp.float32)
    q_ref[...] = jnp.dot(x, w1b, preferred_element_type=jnp.float32)


def _prep(x, w1ab):
    return pl.pallas_call(
        _prep_body,
        out_shape=[
            jax.ShapeDtypeStruct((N_NODES, D_NODE), jnp.float32),
            jax.ShapeDtypeStruct((N_NODES, D_NODE), jnp.float32),
        ],
    )(x, w1ab)


EBLK = 8000


def _rne_bf16_bits(f32):
    u = lax.bitcast_convert_type(f32, jnp.uint32)
    one = jnp.uint32(1)
    sixteen = jnp.uint32(16)
    lsb = lax.bitwise_and(lax.shift_right_logical(u, sixteen), one)
    return lax.shift_right_logical(u + jnp.uint32(0x7FFF) + lsb, sixteen)


def _pack_pairs(f32):
    lo = _rne_bf16_bits(f32[:, :D_OUT // 2])
    hi = lax.shift_left(_rne_bf16_bits(f32[:, D_OUT // 2:]), jnp.uint32(16))
    return lax.bitcast_convert_type(hi | lo, jnp.int32)


def _edge_bias_body(ea_ref, w1_ref, b1_ref, c_ref):
    w1c = w1_ref[2 * D_NODE:2 * D_NODE + D_EDGE, :]
    cf = (jnp.dot(ea_ref[...], w1c, preferred_element_type=jnp.float32)
          + b1_ref[...])
    c_ref[...] = _pack_pairs(cf)


def _edge_bias(edge_attr, w1, b1_row):
    return pl.pallas_call(
        _edge_bias_body,
        grid=(N_EDGES // EBLK,),
        in_specs=[
            pl.BlockSpec((EBLK, D_EDGE), lambda i: (i, 0)),
            pl.BlockSpec((2 * D_NODE + D_EDGE, D_OUT), lambda i: (0, 0)),
            pl.BlockSpec((1, D_OUT), lambda i: (0, 0)),
        ],
        out_specs=pl.BlockSpec((EBLK, D_OUT // 2), lambda i: (i, 0)),
        out_shape=jax.ShapeDtypeStruct((N_EDGES, D_OUT // 2), jnp.int32),
    )(edge_attr, w1, b1_row)



IB = 10
NBATCH = NB // IB


def _sc_body(p_hbm, q_hbm, c_hbm, src_hbm, dst_hbm, out_hbm, deg_hbm,
             s_sh, dflat_v, sflat_v, d0_v, s0_v, d1_v, s1_v,
             p0_v, q0_v, c0_v, p1_v, q1_v, c1_v, hist_v,
             sem_g0, sem_g1, sem_s0, sem_s1):
    c = lax.axis_index("c")
    s = lax.axis_index("s")
    wid = s * NC + c
    ebase = wid * EPW

    zvec = jnp.zeros((16,), jnp.float32)
    ones = jnp.ones((16,), jnp.float32)

    def _zero_st(i, _):
        for k in range(D_OUT // 16):
            p0_v[i, pl.ds(k * 16, 16)] = zvec
        return 0
    lax.fori_loop(0, EB, _zero_st, 0)
    for j in range(ROWS_PER_TILE // EB):
        pltpu.sync_copy(
            p0_v, s_sh.at[pl.ds(s * ROWS_PER_TILE + j * EB, EB)])

    def _zero_hist(i, _):
        hist_v[pl.ds(i * 16, 16)] = zvec
        return 0
    lax.fori_loop(0, N_PAD // 16, _zero_hist, 0)

    plsc.subcore_barrier()

    def _load_batch(t):
        off = ebase + t * (IB * EB)
        pltpu.sync_copy(dst_hbm.at[pl.ds(off, IB * EB)], dflat_v)
        pltpu.sync_copy(src_hbm.at[pl.ds(off, IB * EB)], sflat_v)
        for i in range(IB * EB // 16):
            plsc.addupdate_scatter(
                hist_v, [dflat_v[pl.ds(i * 16, 16)]], ones)

    def _issue(r, eoff, d_v, s_v, p_v, q_v, cc_v, sem):
        o = r * EB
        d_v[pl.ds(0, 16)] = dflat_v[pl.ds(o, 16)]
        d_v[pl.ds(16, 16)] = dflat_v[pl.ds(o + 16, 16)]
        d_v[pl.ds(24, 16)] = dflat_v[pl.ds(o + 24, 16)]
        s_v[pl.ds(0, 16)] = sflat_v[pl.ds(o, 16)]
        s_v[pl.ds(16, 16)] = sflat_v[pl.ds(o + 16, 16)]
        s_v[pl.ds(24, 16)] = sflat_v[pl.ds(o + 24, 16)]
        pltpu.async_copy(p_hbm.at[d_v], p_v, sem)
        pltpu.async_copy(q_hbm.at[s_v], q_v, sem)
        pltpu.async_copy(c_hbm.at[pl.ds(eoff, EB)], cc_v, sem)

    def _drain_gather(d_v, s_v, p_v, q_v, cc_v, sem):
        pltpu.make_async_copy(p_hbm.at[d_v], p_v, sem).wait()
        pltpu.make_async_copy(q_hbm.at[s_v], q_v, sem).wait()
        pltpu.make_async_copy(c_hbm.at[pl.ds(0, EB)], cc_v, sem).wait()

    def _drain_scatter(ss_v, sem):
        pltpu.make_async_copy(ss_v, s_sh.at[pl.ds(0, EB)], sem).wait()

    sh16 = jnp.full((16,), 16, jnp.int32)
    hi16 = jnp.full((16,), -65536, jnp.int32)

    def _compute(p_v, q_v, cc_v):
        def _edge(e, _):
            for k in range(D_OUT // 32):
                o = k * 16
                wc = cc_v[e, pl.ds(o, 16)]
                ca = plsc.bitcast(lax.shift_left(wc, sh16), jnp.float32)
                cb = plsc.bitcast(lax.bitwise_and(wc, hi16), jnp.float32)
                va = p_v[e, pl.ds(o, 16)] + q_v[e, pl.ds(o, 16)] + ca
                vb = (p_v[e, pl.ds(o + 64, 16)]
                      + q_v[e, pl.ds(o + 64, 16)] + cb)
                p_v[e, pl.ds(o, 16)] = jnp.maximum(va, 0.0)
                p_v[e, pl.ds(o + 64, 16)] = jnp.maximum(vb, 0.0)
            return 0
        lax.fori_loop(0, EB, _edge, 0)

    _load_batch(0)
    _issue(0, ebase, d0_v, s0_v, p0_v, q0_v, c0_v, sem_g0)

    HALF = NB // 2

    def _outer(g, _):
        m = g % (IB // 2)
        eoff0 = ebase + g * (2 * EB)

        @pl.when(g > 0)
        def _():
            _drain_scatter(p1_v, sem_s1)
        _issue(2 * m + 1, eoff0 + EB, d1_v, s1_v, p1_v, q1_v, c1_v, sem_g1)

        _drain_gather(d0_v, s0_v, p0_v, q0_v, c0_v, sem_g0)
        _compute(p0_v, q0_v, c0_v)
        pltpu.async_copy(p0_v, s_sh.at[d0_v], sem_s0, add=True)

        @pl.when((m == IB // 2 - 1) & (g < HALF - 1))
        def _():
            _load_batch(g // (IB // 2) + 1)

        @pl.when(g < HALF - 1)
        def _():
            _drain_scatter(p0_v, sem_s0)
            rnext = jnp.where(m == IB // 2 - 1, 0, 2 * m + 2)
            _issue(rnext, eoff0 + 2 * EB, d0_v, s0_v, p0_v, q0_v, c0_v,
                   sem_g0)

        _drain_gather(d1_v, s1_v, p1_v, q1_v, c1_v, sem_g1)
        _compute(p1_v, q1_v, c1_v)
        pltpu.async_copy(p1_v, s_sh.at[d1_v], sem_s1, add=True)
        return 0

    lax.fori_loop(0, HALF, _outer, 0)
    _drain_scatter(p0_v, sem_s0)
    _drain_scatter(p1_v, sem_s1)

    plsc.subcore_barrier()

    pltpu.sync_copy(s_sh.at[pl.ds(s * ROWS_PER_TILE, ROWS_PER_TILE)],
                    out_hbm.at[c, pl.ds(s * ROWS_PER_TILE, ROWS_PER_TILE)])
    pltpu.sync_copy(hist_v, deg_hbm.at[c, s])


_sc_edge = pl.kernel(
    _sc_body,
    out_type=(jax.ShapeDtypeStruct((NC, N_PAD, D_OUT), jnp.float32),
              jax.ShapeDtypeStruct((NC, NS, N_PAD), jnp.float32)),
    mesh=plsc.VectorSubcoreMesh(core_axis_name="c", subcore_axis_name="s"),
    compiler_params=pltpu.CompilerParams(needs_layout_passes=False),
    scratch_types=[
        pltpu.VMEM_SHARED((N_PAD, D_OUT), jnp.float32),
        pltpu.VMEM((IB * EB,), jnp.int32),
        pltpu.VMEM((IB * EB,), jnp.int32),
        pltpu.VMEM((EB,), jnp.int32),
        pltpu.VMEM((EB,), jnp.int32),
        pltpu.VMEM((EB,), jnp.int32),
        pltpu.VMEM((EB,), jnp.int32),
        pltpu.VMEM((EB, D_NODE), jnp.float32),
        pltpu.VMEM((EB, D_NODE), jnp.float32),
        pltpu.VMEM((EB, D_OUT // 2), jnp.int32),
        pltpu.VMEM((EB, D_NODE), jnp.float32),
        pltpu.VMEM((EB, D_NODE), jnp.float32),
        pltpu.VMEM((EB, D_OUT // 2), jnp.int32),
        pltpu.VMEM((N_PAD,), jnp.float32),
        pltpu.SemaphoreType.DMA,
        pltpu.SemaphoreType.DMA,
        pltpu.SemaphoreType.DMA,
        pltpu.SemaphoreType.DMA,
    ],
)


def _final_body(sp_ref, deg_ref, w2_ref, b2_ref, gamma_ref, beta_ref,
                out_ref):
    h = sp_ref[0, :N_NODES, :] + sp_ref[1, :N_NODES, :]
    deg = jnp.sum(deg_ref[...], axis=(0, 1))[:N_NODES].reshape(N_NODES, 1)
    agg = (jnp.dot(h, w2_ref[...], preferred_element_type=jnp.float32)
           + deg * b2_ref[...])
    mean = jnp.mean(agg, axis=0, keepdims=True)
    var = jnp.mean((agg - mean) ** 2, axis=0, keepdims=True)
    out = (agg - mean) * lax.rsqrt(var + 1e-5) * gamma_ref[...] + beta_ref[...]
    out_ref[...] = jnp.maximum(out, 0.0)


def _final(spart, deg, w2, b2_row, gamma_row, beta_row):
    return pl.pallas_call(
        _final_body,
        out_shape=jax.ShapeDtypeStruct((N_NODES, D_OUT), jnp.float32),
    )(spart, deg, w2, b2_row, gamma_row, beta_row)


def kernel(x, edge_index, edge_attr, W1, b1, W2, b2, gamma, beta):
    idx = edge_index.astype(jnp.int32)
    src = idx[0]
    dst = idx[1]
    p, q = _prep(x, W1[:2 * D_NODE])
    c32 = _edge_bias(edge_attr, W1, b1.reshape(1, D_OUT))
    spart, deg = _sc_edge(p, q, c32, src, dst)
    return _final(spart, deg, W2, b2.reshape(1, D_OUT),
                  gamma.reshape(1, D_OUT), beta.reshape(1, D_OUT))

# --- scband reference (transcript-rebuilt; emitter-appended) ---
"""Pipeline reference for scband-edge-gnnblock-43508018708924 (READ-ONLY COPY).

The authoritative reference and input builder live on the scoring server;
editing this copy changes nothing except your own understanding.
"""

import jax, jax.numpy as jnp
import numpy as np

N_NODES = 10000
N_EDGES = 320000
D_NODE = 128
D_EDGE = 16
D_OUT = 128
D_IN_MLP = 2 * D_NODE + D_EDGE  # 272


def setup_inputs(seed: int = 0) -> dict:
    key = jax.random.key(seed)
    ks = jax.random.split(key, 10)
    x = jax.random.normal(ks[0], (N_NODES, D_NODE), dtype=jnp.float32)
    edge_index = jax.random.randint(ks[1], (2, N_EDGES), 0, N_NODES, dtype=jnp.int64)
    edge_attr = jax.random.normal(ks[2], (N_EDGES, D_EDGE), dtype=jnp.float32)
    # MLP params: Linear(272 -> 128), ReLU, Linear(128 -> 128)
    W1 = jax.random.normal(ks[3], (D_IN_MLP, D_OUT), dtype=jnp.float32) * (1.0 / np.sqrt(D_IN_MLP))
    b1 = jnp.zeros((D_OUT,), dtype=jnp.float32)
    W2 = jax.random.normal(ks[4], (D_OUT, D_OUT), dtype=jnp.float32) * (1.0 / np.sqrt(D_OUT))
    b2 = jnp.zeros((D_OUT,), dtype=jnp.float32)
    # BatchNorm1d affine params
    gamma = jnp.ones((D_OUT,), dtype=jnp.float32)
    beta = jnp.zeros((D_OUT,), dtype=jnp.float32)
    return {"x": x, "edge_index": edge_index, "edge_attr": edge_attr,
            "W1": W1, "b1": b1, "W2": W2, "b2": b2, "gamma": gamma, "beta": beta}


def reference(x, edge_index, edge_attr, W1, b1, W2, b2, gamma, beta):
    # EdgeConv-style message passing with edge attributes:
    # message m_ij = MLP([x_i, x_j - x_i, e_ij]) ; aggr='add' to destination node i
    src = edge_index[0]
    dst = edge_index[1]
    x_i = jnp.take(x, dst, axis=0)           # destination (central) node feats [E, D_NODE]
    x_j = jnp.take(x, src, axis=0)           # source (neighbor) node feats    [E, D_NODE]
    m = jnp.concatenate([x_i, x_j - x_i, edge_attr], axis=1)  # [E, 272]
    h = jnp.maximum(m @ W1 + b1, 0.0)
    h = h @ W2 + b2                           # [E, D_OUT]
    agg = jax.ops.segment_sum(h, dst, num_segments=x.shape[0])  # [N, D_OUT]
    # BatchNorm1d (training-mode batch statistics) + ReLU
    mean = jnp.mean(agg, axis=0)
    var = jnp.var(agg, axis=0)
    out = (agg - mean) / jnp.sqrt(var + 1e-5) * gamma + beta
    return jnp.maximum(out, 0.0)

if __name__ == "__main__":
    import jax
    _d = setup_inputs()
    print(jax.jit(kernel)(*tuple(_d.values())))

</pallas_src>

<mosaic_0001>
#map = affine_map<(d0, d1) -> (0, 0)>
#map1 = affine_map<(d0, d1) -> (0)>
#map2 = affine_map<(d0, d1) -> (0, 0, 0)>
module attributes {stable_mosaic.version = 14 : i64} {
  func.func @_sc_body(%arg0: i32, %arg1: i32, %arg2: memref<10000x128xf32, #tpu.memory_space<hbm>>, %arg3: memref<10000x128xf32, #tpu.memory_space<hbm>>, %arg4: memref<320000x64xi32, #tpu.memory_space<hbm>>, %arg5: memref<320000xi32, #tpu.memory_space<hbm>>, %arg6: memref<320000xi32, #tpu.memory_space<hbm>>, %arg7: memref<2x10240x128xf32, #tpu.memory_space<hbm>>, %arg8: memref<2x16x10240xf32, #tpu.memory_space<hbm>>, %arg9: memref<10240x128xf32, #tpu.memory_space<vmem_shared>>, %arg10: memref<400xi32, #tpu.memory_space<vmem>>, %arg11: memref<400xi32, #tpu.memory_space<vmem>>, %arg12: memref<40xi32, #tpu.memory_space<vmem>>, %arg13: memref<40xi32, #tpu.memory_space<vmem>>, %arg14: memref<40xi32, #tpu.memory_space<vmem>>, %arg15: memref<40xi32, #tpu.memory_space<vmem>>, %arg16: memref<40x128xf32, #tpu.memory_space<vmem>>, %arg17: memref<40x128xf32, #tpu.memory_space<vmem>>, %arg18: memref<40x64xi32, #tpu.memory_space<vmem>>, %arg19: memref<40x128xf32, #tpu.memory_space<vmem>>, %arg20: memref<40x128xf32, #tpu.memory_space<vmem>>, %arg21: memref<40x64xi32, #tpu.memory_space<vmem>>, %arg22: memref<10240xf32, #tpu.memory_space<vmem>>, %arg23: memref<!tpu.dma_semaphore, #tpu.memory_space<semaphore_mem>>, %arg24: memref<!tpu.dma_semaphore, #tpu.memory_space<semaphore_mem>>, %arg25: memref<!tpu.dma_semaphore, #tpu.memory_space<semaphore_mem>>, %arg26: memref<!tpu.dma_semaphore, #tpu.memory_space<semaphore_mem>>) attributes {dimension_semantics = [#tpu.dimension_semantics<core_parallel>, #tpu.dimension_semantics<subcore_parallel>], iteration_bounds = array<i64: 2, 16>, scalar_prefetch = 0 : i64, scratch_operands = 18 : i64, tpu.core_type = #tpu.core_type<sc_vector_subcore>, window_params = [{transform_indices = #map}, {transform_indices = #map}, {transform_indices = #map}, {transform_indices = #map1}, {transform_indices = #map1}, {transform_indices = #map2}, {transform_indices = #map2}]} {
    %mul3A = arith.constant 2 : i32
    %mul3A_0 = arith.muli %arg1, %mul3A : i32
    %add3A = arith.addi %mul3A_0, %arg0 : i32
    %mul3A_1 = arith.constant 10000 : i32
    %mul3A_2 = arith.muli %add3A, %mul3A_1 : i32
    %broadcast_in_dim3A = arith.constant 0.000000e+00 : f32
    %broadcast_in_dim3A_3 = vector.broadcast %broadcast_in_dim3A : f32 to vector<16xf32>
    %broadcast_in_dim3A_4 = arith.constant 1.000000e+00 : f32
    %broadcast_in_dim3A_5 = vector.broadcast %broadcast_in_dim3A_4 : f32 to vector<16xf32>
    %scan3A = arith.constant 0 : i32
    %scan3A_6 = arith.constant 0 : i32
    %scan3A_7 = arith.constant 40 : i32
    %scan3A_8 = arith.addi %scan3A_6, %scan3A_7 : i32
    %scan3A_9 = arith.constant 1 : i32
    %scan3A_10 = scf.for %scan3A_193 = %scan3A_6 to %scan3A_8 step %scan3A_9 iter_args(%scan3A_194 = %scan3A) -> (i32)  : i32 {
      %swap3A_195 = arith.index_cast %scan3A_193 : i32 to index
      %swap3A_196 = arith.constant 0 : index
      %swap3A_197 = tpu.vector_load %arg16[%swap3A_195, %swap3A_196] {strides = array<i32>} : memref<40x128xf32, #tpu.memory_space<vmem>>, vector<16xf32>,
      tpu.vector_store %arg16[%swap3A_195, %swap3A_196], %broadcast_in_dim3A_3 {strides = array<i32>} : memref<40x128xf32, #tpu.memory_space<vmem>>, vector<16xf32>,
      %swap3A_198 = arith.index_cast %scan3A_193 : i32 to index
      %swap3A_199 = arith.constant 16 : index
      %swap3A_200 = tpu.vector_load %arg16[%swap3A_198, %swap3A_199] {strides = array<i32>} : memref<40x128xf32, #tpu.memory_space<vmem>>, vector<16xf32>,
      tpu.vector_store %arg16[%swap3A_198, %swap3A_199], %broadcast_in_dim3A_3 {strides = array<i32>} : memref<40x128xf32, #tpu.memory_space<vmem>>, vector<16xf32>,
      %swap3A_201 = arith.index_cast %scan3A_193 : i32 to index
      %swap3A_202 = arith.constant 32 : index
      %swap3A_203 = tpu.vector_load %arg16[%swap3A_201, %swap3A_202] {strides = array<i32>} : memref<40x128xf32, #tpu.memory_space<vmem>>, vector<16xf32>,
      tpu.vector_store %arg16[%swap3A_201, %swap3A_202], %broadcast_in_dim3A_3 {strides = array<i32>} : memref<40x128xf32, #tpu.memory_space<vmem>>, vector<16xf32>,
      %swap3A_204 = arith.index_cast %scan3A_193 : i32 to index
      %swap3A_205 = arith.constant 48 : index
      %swap3A_206 = tpu.vector_load %arg16[%swap3A_204, %swap3A_205] {strides = array<i32>} : memref<40x128xf32, #tpu.memory_space<vmem>>, vector<16xf32>,
      tpu.vector_store %arg16[%swap3A_204, %swap3A_205], %broadcast_in_dim3A_3 {strides = array<i32>} : memref<40x128xf32, #tpu.memory_space<vmem>>, vector<16xf32>,
      %swap3A_207 = arith.index_cast %scan3A_193 : i32 to index
      %swap3A_208 = arith.constant 64 : index
      %swap3A_209 = tpu.vector_load %arg16[%swap3A_207, %swap3A_208] {strides = array<i32>} : memref<40x128xf32, #tpu.memory_space<vmem>>, vector<16xf32>,
      tpu.vector_store %arg16[%swap3A_207, %swap3A_208], %broadcast_in_dim3A_3 {strides = array<i32>} : memref<40x128xf32, #tpu.memory_space<vmem>>, vector<16xf32>,
      %swap3A_210 = arith.index_cast %scan3A_193 : i32 to index
      %swap3A_211 = arith.constant 80 : index
      %swap3A_212 = tpu.vector_load %arg16[%swap3A_210, %swap3A_211] {strides = array<i32>} : memref<40x128xf32, #tpu.memory_space<vmem>>, vector<16xf32>,
      tpu.vector_store %arg16[%swap3A_210, %swap3A_211], %broadcast_in_dim3A_3 {strides = array<i32>} : memref<40x128xf32, #tpu.memory_space<vmem>>, vector<16xf32>,
      %swap3A_213 = arith.index_cast %scan3A_193 : i32 to index
      %swap3A_214 = arith.constant 96 : index
      %swap3A_215 = tpu.vector_load %arg16[%swap3A_213, %swap3A_214] {strides = array<i32>} : memref<40x128xf32, #tpu.memory_space<vmem>>, vector<16xf32>,
      tpu.vector_store %arg16[%swap3A_213, %swap3A_214], %broadcast_in_dim3A_3 {strides = array<i32>} : memref<40x128xf32, #tpu.memory_space<vmem>>, vector<16xf32>,
      %swap3A_216 = arith.index_cast %scan3A_193 : i32 to index
      %swap3A_217 = arith.constant 112 : index
      %swap3A_218 = tpu.vector_load %arg16[%swap3A_216, %swap3A_217] {strides = array<i32>} : memref<40x128xf32, #tpu.memory_space<vmem>>, vector<16xf32>,
      tpu.vector_store %arg16[%swap3A_216, %swap3A_217], %broadcast_in_dim3A_3 {strides = array<i32>} : memref<40x128xf32, #tpu.memory_space<vmem>>, vector<16xf32>,
      %scan3A_219 = arith.constant 0 : i32
      scf.yield %scan3A_219 : i32
    }
    %scan3A_11 = arith.constant 40 : i32
    %mul3A_12 = arith.constant 640 : i32
    %mul3A_13 = arith.muli %arg1, %mul3A_12 : i32
    %add3A_14 = arith.constant 0 : i32
    %add3A_15 = arith.addi %mul3A_13, %add3A_14 : i32
    "tpu.region"() ({
      %run_scoped3A = tpu.sem_alloc : memref<!tpu.dma_semaphore, #tpu.memory_space<semaphore_mem>>
      %dma_start3A_193 = arith.constant 0 : i32
      %dma_start3A_194 = tpu.memref_slice %arg9[%add3A_15, %dma_start3A_193] : memref<10240x128xf32, #tpu.memory_space<vmem_shared>> -> memref<40x128xf32, #tpu.memory_space<vmem_shared>>
      %dma_start3A_195 = arith.constant 0 : i32
      %dma_start3A_196 = tpu.memref_slice %arg9[%add3A_15, %dma_start3A_195] : memref<10240x128xf32, #tpu.memory_space<vmem_shared>> -> memref<40x128xf32, #tpu.memory_space<vmem_shared>>
      tpu.enqueue_dma source(%arg16 : memref<40x128xf32, #tpu.memory_space<vmem>>) target(%dma_start3A_196 : memref<40x128xf32, #tpu.memory_space<vmem_shared>>) target_semaphore(%run_scoped3A : memref<!tpu.dma_semaphore, #tpu.memory_space<semaphore_mem>>)
      %dma_wait3A_197 = arith.constant 0 : i32
      %dma_wait3A_198 = tpu.memref_slice %arg9[%add3A_15, %dma_wait3A_197] : memref<10240x128xf32, #tpu.memory_space<vmem_shared>> -> memref<40x128xf32, #tpu.memory_space<vmem_shared>>
      %dma_wait3A_199 = arith.constant 0 : i32
      %dma_wait3A_200 = tpu.memref_slice %arg9[%add3A_15, %dma_wait3A_199] : memref<10240x128xf32, #tpu.memory_space<vmem_shared>> -> memref<40x128xf32, #tpu.memory_space<vmem_shared>>
      tpu.wait_dma2 semaphore(%run_scoped3A : memref<!tpu.dma_semaphore, #tpu.memory_space<semaphore_mem>>) src(%arg16 : memref<40x128xf32, #tpu.memory_space<vmem>>) dst(%dma_wait3A_200 : memref<40x128xf32, #tpu.memory_space<vmem_shared>>)
      tpu.yield
    }) : () -> ()
    %mul3A_16 = arith.constant 640 : i32
    %mul3A_17 = arith.muli %arg1, %mul3A_16 : i32
    %add3A_18 = arith.constant 40 : i32
    %add3A_19 = arith.addi %mul3A_17, %add3A_18 : i32
    "tpu.region"() ({
      %run_scoped3A = tpu.sem_alloc : memref<!tpu.dma_semaphore, #tpu.memory_space<semaphore_mem>>
      %dma_start3A_193 = arith.constant 0 : i32
      %dma_start3A_194 = tpu.memref_slice %arg9[%add3A_19, %dma_start3A_193] : memref<10240x128xf32, #tpu.memory_space<vmem_shared>> -> memref<40x128xf32, #tpu.memory_space<vmem_shared>>
      %dma_start3A_195 = arith.constant 0 : i32
      %dma_start3A_196 = tpu.memref_slice %arg9[%add3A_19, %dma_start3A_195] : memref<10240x128xf32, #tpu.memory_space<vmem_shared>> -> memref<40x128xf32, #tpu.memory_space<vmem_shared>>
      tpu.enqueue_dma source(%arg16 : memref<40x128xf32, #tpu.memory_space<vmem>>) target(%dma_start3A_196 : memref<40x128xf32, #tpu.memory_space<vmem_shared>>) target_semaphore(%run_scoped3A : memref<!tpu.dma_semaphore, #tpu.memory_space<semaphore_mem>>)
      %dma_wait3A_197 = arith.constant 0 : i32
      %dma_wait3A_198 = tpu.memref_slice %arg9[%add3A_19, %dma_wait3A_197] : memref<10240x128xf32, #tpu.memory_space<vmem_shared>> -> memref<40x128xf32, #tpu.memory_space<vmem_shared>>
      %dma_wait3A_199 = arith.constant 0 : i32
      %dma_wait3A_200 = tpu.memref_slice %arg9[%add3A_19, %dma_wait3A_199] : memref<10240x128xf32, #tpu.memory_space<vmem_shared>> -> memref<40x128xf32, #tpu.memory_space<vmem_shared>>
      tpu.wait_dma2 semaphore(%run_scoped3A : memref<!tpu.dma_semaphore, #tpu.memory_space<semaphore_mem>>) src(%arg16 : memref<40x128xf32, #tpu.memory_space<vmem>>) dst(%dma_wait3A_200 : memref<40x128xf32, #tpu.memory_space<vmem_shared>>)
      tpu.yield
    }) : () -> ()
    %mul3A_20 = arith.constant 640 : i32
    %mul3A_21 = arith.muli %arg1, %mul3A_20 : i32
    %add3A_22 = arith.constant 80 : i32
    %add3A_23 = arith.addi %mul3A_21, %add3A_22 : i32
    "tpu.region"() ({
      %run_scoped3A = tpu.sem_alloc : memref<!tpu.dma_semaphore, #tpu.memory_space<semaphore_mem>>
      %dma_start3A_193 = arith.constant 0 : i32
      %dma_start3A_194 = tpu.memref_slice %arg9[%add3A_23, %dma_start3A_193] : memref<10240x128xf32, #tpu.memory_space<vmem_shared>> -> memref<40x128xf32, #tpu.memory_space<vmem_shared>>
      %dma_start3A_195 = arith.constant 0 : i32
      %dma_start3A_196 = tpu.memref_slice %arg9[%add3A_23, %dma_start3A_195] : memref<10240x128xf32, #tpu.memory_space<vmem_shared>> -> memref<40x128xf32, #tpu.memory_space<vmem_shared>>
      tpu.enqueue_dma source(%arg16 : memref<40x128xf32, #tpu.memory_space<vmem>>) target(%dma_start3A_196 : memref<40x128xf32, #tpu.memory_space<vmem_shared>>) target_semaphore(%run_scoped3A : memref<!tpu.dma_semaphore, #tpu.memory_space<semaphore_mem>>)
      %dma_wait3A_197 = arith.constant 0 : i32
      %dma_wait3A_198 = tpu.memref_slice %arg9[%add3A_23, %dma_wait3A_197] : memref<10240x128xf32, #tpu.memory_space<vmem_shared>> -> memref<40x128xf32, #tpu.memory_space<vmem_shared>>
      %dma_wait3A_199 = arith.constant 0 : i32
      %dma_wait3A_200 = tpu.memref_slice %arg9[%add3A_23, %dma_wait3A_199] : memref<10240x128xf32, #tpu.memory_space<vmem_shared>> -> memref<40x128xf32, #tpu.memory_space<vmem_shared>>
      tpu.wait_dma2 semaphore(%run_scoped3A : memref<!tpu.dma_semaphore, #tpu.memory_space<semaphore_mem>>) src(%arg16 : memref<40x128xf32, #tpu.memory_space<vmem>>) dst(%dma_wait3A_200 : memref<40x128xf32, #tpu.memory_space<vmem_shared>>)
      tpu.yield
    }) : () -> ()
    %mul3A_24 = arith.constant 640 : i32
    %mul3A_25 = arith.muli %arg1, %mul3A_24 : i32
    %add3A_26 = arith.constant 120 : i32
    %add3A_27 = arith.addi %mul3A_25, %add3A_26 : i32
    "tpu.region"() ({
      %run_scoped3A = tpu.sem_alloc : memref<!tpu.dma_semaphore, #tpu.memory_space<semaphore_mem>>
      %dma_start3A_193 = arith.constant 0 : i32
      %dma_start3A_194 = tpu.memref_slice %arg9[%add3A_27, %dma_start3A_193] : memref<10240x128xf32, #tpu.memory_space<vmem_shared>> -> memref<40x128xf32, #tpu.memory_space<vmem_shared>>
      %dma_start3A_195 = arith.constant 0 : i32
      %dma_start3A_196 = tpu.memref_slice %arg9[%add3A_27, %dma_start3A_195] : memref<10240x128xf32, #tpu.memory_space<vmem_shared>> -> memref<40x128xf32, #tpu.memory_space<vmem_shared>>
      tpu.enqueue_dma source(%arg16 : memref<40x128xf32, #tpu.memory_space<vmem>>) target(%dma_start3A_196 : memref<40x128xf32, #tpu.memory_space<vmem_shared>>) target_semaphore(%run_scoped3A : memref<!tpu.dma_semaphore, #tpu.memory_space<semaphore_mem>>)
      %dma_wait3A_197 = arith.constant 0 : i32
      %dma_wait3A_198 = tpu.memref_slice %arg9[%add3A_27, %dma_wait3A_197] : memref<10240x128xf32, #tpu.memory_space<vmem_shared>> -> memref<40x128xf32, #tpu.memory_space<vmem_shared>>
      %dma_wait3A_199 = arith.constant 0 : i32
      %dma_wait3A_200 = tpu.memref_slice %arg9[%add3A_27, %dma_wait3A_199] : memref<10240x128xf32, #tpu.memory_space<vmem_shared>> -> memref<40x128xf32, #tpu.memory_space<vmem_shared>>
      tpu.wait_dma2 semaphore(%run_scoped3A : memref<!tpu.dma_semaphore, #tpu.memory_space<semaphore_mem>>) src(%arg16 : memref<40x128xf32, #tpu.memory_space<vmem>>) dst(%dma_wait3A_200 : memref<40x128xf32, #tpu.memory_space<vmem_shared>>)
      tpu.yield
    }) : () -> ()
    %mul3A_28 = arith.constant 640 : i32
    %mul3A_29 = arith.muli %arg1, %mul3A_28 : i32
    %add3A_30 = arith.constant 160 : i32
    %add3A_31 = arith.addi %mul3A_29, %add3A_30 : i32
    "tpu.region"() ({
      %run_scoped3A = tpu.sem_alloc : memref<!tpu.dma_semaphore, #tpu.memory_space<semaphore_mem>>
      %dma_start3A_193 = arith.constant 0 : i32
      %dma_start3A_194 = tpu.memref_slice %arg9[%add3A_31, %dma_start3A_193] : memref<10240x128xf32, #tpu.memory_space<vmem_shared>> -> memref<40x128xf32, #tpu.memory_space<vmem_shared>>
      %dma_start3A_195 = arith.constant 0 : i32
      %dma_start3A_196 = tpu.memref_slice %arg9[%add3A_31, %dma_start3A_195] : memref<10240x128xf32, #tpu.memory_space<vmem_shared>> -> memref<40x128xf32, #tpu.memory_space<vmem_shared>>
      tpu.enqueue_dma source(%arg16 : memref<40x128xf32, #tpu.memory_space<vmem>>) target(%dma_start3A_196 : memref<40x128xf32, #tpu.memory_space<vmem_shared>>) target_semaphore(%run_scoped3A : memref<!tpu.dma_semaphore, #tpu.memory_space<semaphore_mem>>)
      %dma_wait3A_197 = arith.constant 0 : i32
      %dma_wait3A_198 = tpu.memref_slice %arg9[%add3A_31, %dma_wait3A_197] : memref<10240x128xf32, #tpu.memory_space<vmem_shared>> -> memref<40x128xf32, #tpu.memory_space<vmem_shared>>
      %dma_wait3A_199 = arith.constant 0 : i32
      %dma_wait3A_200 = tpu.memref_slice %arg9[%add3A_31, %dma_wait3A_199] : memref<10240x128xf32, #tpu.memory_space<vmem_shared>> -> memref<40x128xf32, #tpu.memory_space<vmem_shared>>
      tpu.wait_dma2 semaphore(%run_scoped3A : memref<!tpu.dma_semaphore, #tpu.memory_space<semaphore_mem>>) src(%arg16 : memref<40x128xf32, #tpu.memory_space<vmem>>) dst(%dma_wait3A_200 : memref<40x128xf32, #tpu.memory_space<vmem_shared>>)
      tpu.yield
    }) : () -> ()
    %mul3A_32 = arith.constant 640 : i32
    %mul3A_33 = arith.muli %arg1, %mul3A_32 : i32
    %add3A_34 = arith.constant 200 : i32
    %add3A_35 = arith.addi %mul3A_33, %add3A_34 : i32
    "tpu.region"() ({
      %run_scoped3A = tpu.sem_alloc : memref<!tpu.dma_semaphore, #tpu.memory_space<semaphore_mem>>
      %dma_start3A_193 = arith.constant 0 : i32
      %dma_start3A_194 = tpu.memref_slice %arg9[%add3A_35, %dma_start3A_193] : memref<10240x128xf32, #tpu.memory_space<vmem_shared>> -> memref<40x128xf32, #tpu.memory_space<vmem_shared>>
      %dma_start3A_195 = arith.constant 0 : i32
      %dma_start3A_196 = tpu.memref_slice %arg9[%add3A_35, %dma_start3A_195] : memref<10240x128xf32, #tpu.memory_space<vmem_shared>> -> memref<40x128xf32, #tpu.memory_space<vmem_shared>>
      tpu.enqueue_dma source(%arg16 : memref<40x128xf32, #tpu.memory_space<vmem>>) target(%dma_start3A_196 : memref<40x128xf32, #tpu.memory_space<vmem_shared>>) target_semaphore(%run_scoped3A : memref<!tpu.dma_semaphore, #tpu.memory_space<semaphore_mem>>)
      %dma_wait3A_197 = arith.constant 0 : i32
      %dma_wait3A_198 = tpu.memref_slice %arg9[%add3A_35, %dma_wait3A_197] : memref<10240x128xf32, #tpu.memory_space<vmem_shared>> -> memref<40x128xf32, #tpu.memory_space<vmem_shared>>
      %dma_wait3A_199 = arith.constant 0 : i32
      %dma_wait3A_200 = tpu.memref_slice %arg9[%add3A_35, %dma_wait3A_199] : memref<10240x128xf32, #tpu.memory_space<vmem_shared>> -> memref<40x128xf32, #tpu.memory_space<vmem_shared>>
      tpu.wait_dma2 semaphore(%run_scoped3A : memref<!tpu.dma_semaphore, #tpu.memory_space<semaphore_mem>>) src(%arg16 : memref<40x128xf32, #tpu.memory_space<vmem>>) dst(%dma_wait3A_200 : memref<40x128xf32, #tpu.memory_space<vmem_shared>>)
      tpu.yield
    }) : () -> ()
    %mul3A_36 = arith.constant 640 : i32
    %mul3A_37 = arith.muli %arg1, %mul3A_36 : i32
    %add3A_38 = arith.constant 240 : i32
    %add3A_39 = arith.addi %mul3A_37, %add3A_38 : i32
    "tpu.region"() ({
      %run_scoped3A = tpu.sem_alloc : memref<!tpu.dma_semaphore, #tpu.memory_space<semaphore_mem>>
      %dma_start3A_193 = arith.constant 0 : i32
      %dma_start3A_194 = tpu.memref_slice %arg9[%add3A_39, %dma_start3A_193] : memref<10240x128xf32, #tpu.memory_space<vmem_shared>> -> memref<40x128xf32, #tpu.memory_space<vmem_shared>>
      %dma_start3A_195 = arith.constant 0 : i32
      %dma_start3A_196 = tpu.memref_slice %arg9[%add3A_39, %dma_start3A_195] : memref<10240x128xf32, #tpu.memory_space<vmem_shared>> -> memref<40x128xf32, #tpu.memory_space<vmem_shared>>
      tpu.enqueue_dma source(%arg16 : memref<40x128xf32, #tpu.memory_space<vmem>>) target(%dma_start3A_196 : memref<40x128xf32, #tpu.memory_space<vmem_shared>>) target_semaphore(%run_scoped3A : memref<!tpu.dma_semaphore, #tpu.memory_space<semaphore_mem>>)
      %dma_wait3A_197 = arith.constant 0 : i32
      %dma_wait3A_198 = tpu.memref_slice %arg9[%add3A_39, %dma_wait3A_197] : memref<10240x128xf32, #tpu.memory_space<vmem_shared>> -> memref<40x128xf32, #tpu.memory_space<vmem_shared>>
      %dma_wait3A_199 = arith.constant 0 : i32
      %dma_wait3A_200 = tpu.memref_slice %arg9[%add3A_39, %dma_wait3A_199] : memref<10240x128xf32, #tpu.memory_space<vmem_shared>> -> memref<40x128xf32, #tpu.memory_space<vmem_shared>>
      tpu.wait_dma2 semaphore(%run_scoped3A : memref<!tpu.dma_semaphore, #tpu.memory_space<semaphore_mem>>) src(%arg16 : memref<40x128xf32, #tpu.memory_space<vmem>>) dst(%dma_wait3A_200 : memref<40x128xf32, #tpu.memory_space<vmem_shared>>)
      tpu.yield
    }) : () -> ()
    %mul3A_40 = arith.constant 640 : i32
    %mul3A_41 = arith.muli %arg1, %mul3A_40 : i32
    %add3A_42 = arith.constant 280 : i32
    %add3A_43 = arith.addi %mul3A_41, %add3A_42 : i32
    "tpu.region"() ({
      %run_scoped3A = tpu.sem_alloc : memref<!tpu.dma_semaphore, #tpu.memory_space<semaphore_mem>>
      %dma_start3A_193 = arith.constant 0 : i32
      %dma_start3A_194 = tpu.memref_slice %arg9[%add3A_43, %dma_start3A_193] : memref<10240x128xf32, #tpu.memory_space<vmem_shared>> -> memref<40x128xf32, #tpu.memory_space<vmem_shared>>
      %dma_start3A_195 = arith.constant 0 : i32
      %dma_start3A_196 = tpu.memref_slice %arg9[%add3A_43, %dma_start3A_195] : memref<10240x128xf32, #tpu.memory_space<vmem_shared>> -> memref<40x128xf32, #tpu.memory_space<vmem_shared>>
      tpu.enqueue_dma source(%arg16 : memref<40x128xf32, #tpu.memory_space<vmem>>) target(%dma_start3A_196 : memref<40x128xf32, #tpu.memory_space<vmem_shared>>) target_semaphore(%run_scoped3A : memref<!tpu.dma_semaphore, #tpu.memory_space<semaphore_mem>>)
      %dma_wait3A_197 = arith.constant 0 : i32
      %dma_wait3A_198 = tpu.memref_slice %arg9[%add3A_43, %dma_wait3A_197] : memref<10240x128xf32, #tpu.memory_space<vmem_shared>> -> memref<40x128xf32, #tpu.memory_space<vmem_shared>>
      %dma_wait3A_199 = arith.constant 0 : i32
      %dma_wait3A_200 = tpu.memref_slice %arg9[%add3A_43, %dma_wait3A_199] : memref<10240x128xf32, #tpu.memory_space<vmem_shared>> -> memref<40x128xf32, #tpu.memory_space<vmem_shared>>
      tpu.wait_dma2 semaphore(%run_scoped3A : memref<!tpu.dma_semaphore, #tpu.memory_space<semaphore_mem>>) src(%arg16 : memref<40x128xf32, #tpu.memory_space<vmem>>) dst(%dma_wait3A_200 : memref<40x128xf32, #tpu.memory_space<vmem_shared>>)
      tpu.yield
    }) : () -> ()
    %mul3A_44 = arith.constant 640 : i32
    %mul3A_45 = arith.muli %arg1, %mul3A_44 : i32
    %add3A_46 = arith.constant 320 : i32
    %add3A_47 = arith.addi %mul3A_45, %add3A_46 : i32
    "tpu.region"() ({
      %run_scoped3A = tpu.sem_alloc : memref<!tpu.dma_semaphore, #tpu.memory_space<semaphore_mem>>
      %dma_start3A_193 = arith.constant 0 : i32
      %dma_start3A_194 = tpu.memref_slice %arg9[%add3A_47, %dma_start3A_193] : memref<10240x128xf32, #tpu.memory_space<vmem_shared>> -> memref<40x128xf32, #tpu.memory_space<vmem_shared>>
      %dma_start3A_195 = arith.constant 0 : i32
      %dma_start3A_196 = tpu.memref_slice %arg9[%add3A_47, %dma_start3A_195] : memref<10240x128xf32, #tpu.memory_space<vmem_shared>> -> memref<40x128xf32, #tpu.memory_space<vmem_shared>>
      tpu.enqueue_dma source(%arg16 : memref<40x128xf32, #tpu.memory_space<vmem>>) target(%dma_start3A_196 : memref<40x128xf32, #tpu.memory_space<vmem_shared>>) target_semaphore(%run_scoped3A : memref<!tpu.dma_semaphore, #tpu.memory_space<semaphore_mem>>)
      %dma_wait3A_197 = arith.constant 0 : i32
      %dma_wait3A_198 = tpu.memref_slice %arg9[%add3A_47, %dma_wait3A_197] : memref<10240x128xf32, #tpu.memory_space<vmem_shared>> -> memref<40x128xf32, #tpu.memory_space<vmem_shared>>
      %dma_wait3A_199 = arith.constant 0 : i32
      %dma_wait3A_200 = tpu.memref_slice %arg9[%add3A_47, %dma_wait3A_199] : memref<10240x128xf32, #tpu.memory_space<vmem_shared>> -> memref<40x128xf32, #tpu.memory_space<vmem_shared>>
      tpu.wait_dma2 semaphore(%run_scoped3A : memref<!tpu.dma_semaphore, #tpu.memory_space<semaphore_mem>>) src(%arg16 : memref<40x128xf32, #tpu.memory_space<vmem>>) dst(%dma_wait3A_200 : memref<40x128xf32, #tpu.memory_space<vmem_shared>>)
      tpu.yield
    }) : () -> ()
    %mul3A_48 = arith.constant 640 : i32
    %mul3A_49 = arith.muli %arg1, %mul3A_48 : i32
    %add3A_50 = arith.constant 360 : i32
    %add3A_51 = arith.addi %mul3A_49, %add3A_50 : i32
    "tpu.region"() ({
      %run_scoped3A = tpu.sem_alloc : memref<!tpu.dma_semaphore, #tpu.memory_space<semaphore_mem>>
      %dma_start3A_193 = arith.constant 0 : i32
      %dma_start3A_194 = tpu.memref_slice %arg9[%add3A_51, %dma_start3A_193] : memref<10240x128xf32, #tpu.memory_space<vmem_shared>> -> memref<40x128xf32, #tpu.memory_space<vmem_shared>>
      %dma_start3A_195 = arith.constant 0 : i32
      %dma_start3A_196 = tpu.memref_slice %arg9[%add3A_51, %dma_start3A_195] : memref<10240x128xf32, #tpu.memory_space<vmem_shared>> -> memref<40x128xf32, #tpu.memory_space<vmem_shared>>
      tpu.enqueue_dma source(%arg16 : memref<40x128xf32, #tpu.memory_space<vmem>>) target(%dma_start3A_196 : memref<40x128xf32, #tpu.memory_space<vmem_shared>>) target_semaphore(%run_scoped3A : memref<!tpu.dma_semaphore, #tpu.memory_space<semaphore_mem>>)
      %dma_wait3A_197 = arith.constant 0 : i32
      %dma_wait3A_198 = tpu.memref_slice %arg9[%add3A_51, %dma_wait3A_197] : memref<10240x128xf32, #tpu.memory_space<vmem_shared>> -> memref<40x128xf32, #tpu.memory_space<vmem_shared>>
      %dma_wait3A_199 = arith.constant 0 : i32
      %dma_wait3A_200 = tpu.memref_slice %arg9[%add3A_51, %dma_wait3A_199] : memref<10240x128xf32, #tpu.memory_space<vmem_shared>> -> memref<40x128xf32, #tpu.memory_space<vmem_shared>>
      tpu.wait_dma2 semaphore(%run_scoped3A : memref<!tpu.dma_semaphore, #tpu.memory_space<semaphore_mem>>) src(%arg16 : memref<40x128xf32, #tpu.memory_space<vmem>>) dst(%dma_wait3A_200 : memref<40x128xf32, #tpu.memory_space<vmem_shared>>)
      tpu.yield
    }) : () -> ()
    %mul3A_52 = arith.constant 640 : i32
    %mul3A_53 = arith.muli %arg1, %mul3A_52 : i32
    %add3A_54 = arith.constant 400 : i32
    %add3A_55 = arith.addi %mul3A_53, %add3A_54 : i32
    "tpu.region"() ({
      %run_scoped3A = tpu.sem_alloc : memref<!tpu.dma_semaphore, #tpu.memory_space<semaphore_mem>>
      %dma_start3A_193 = arith.constant 0 : i32
      %dma_start3A_194 = tpu.memref_slice %arg9[%add3A_55, %dma_start3A_193] : memref<10240x128xf32, #tpu.memory_space<vmem_shared>> -> memref<40x128xf32, #tpu.memory_space<vmem_shared>>
      %dma_start3A_195 = arith.constant 0 : i32
      %dma_start3A_196 = tpu.memref_slice %arg9[%add3A_55, %dma_start3A_195] : memref<10240x128xf32, #tpu.memory_space<vmem_shared>> -> memref<40x128xf32, #tpu.memory_space<vmem_shared>>
      tpu.enqueue_dma source(%arg16 : memref<40x128xf32, #tpu.memory_space<vmem>>) target(%dma_start3A_196 : memref<40x128xf32, #tpu.memory_space<vmem_shared>>) target_semaphore(%run_scoped3A : memref<!tpu.dma_semaphore, #tpu.memory_space<semaphore_mem>>)
      %dma_wait3A_197 = arith.constant 0 : i32
      %dma_wait3A_198 = tpu.memref_slice %arg9[%add3A_55, %dma_wait3A_197] : memref<10240x128xf32, #tpu.memory_space<vmem_shared>> -> memref<40x128xf32, #tpu.memory_space<vmem_shared>>
      %dma_wait3A_199 = arith.constant 0 : i32
      %dma_wait3A_200 = tpu.memref_slice %arg9[%add3A_55, %dma_wait3A_199] : memref<10240x128xf32, #tpu.memory_space<vmem_shared>> -> memref<40x128xf32, #tpu.memory_space<vmem_shared>>
      tpu.wait_dma2 semaphore(%run_scoped3A : memref<!tpu.dma_semaphore, #tpu.memory_space<semaphore_mem>>) src(%arg16 : memref<40x128xf32, #tpu.memory_space<vmem>>) dst(%dma_wait3A_200 : memref<40x128xf32, #tpu.memory_space<vmem_shared>>)
      tpu.yield
    }) : () -> ()
    %mul3A_56 = arith.constant 640 : i32
    %mul3A_57 = arith.muli %arg1, %mul3A_56 : i32
    %add3A_58 = arith.constant 440 : i32
    %add3A_59 = arith.addi %mul3A_57, %add3A_58 : i32
    "tpu.region"() ({
      %run_scoped3A = tpu.sem_alloc : memref<!tpu.dma_semaphore, #tpu.memory_space<semaphore_mem>>
      %dma_start3A_193 = arith.constant 0 : i32
      %dma_start3A_194 = tpu.memref_slice %arg9[%add3A_59, %dma_start3A_193] : memref<10240x128xf32, #tpu.memory_space<vmem_shared>> -> memref<40x128xf32, #tpu.memory_space<vmem_shared>>
      %dma_start3A_195 = arith.constant 0 : i32
      %dma_start3A_196 = tpu.memref_slice %arg9[%add3A_59, %dma_start3A_195] : memref<10240x128xf32, #tpu.memory_space<vmem_shared>> -> memref<40x128xf32, #tpu.memory_space<vmem_shared>>
      tpu.enqueue_dma source(%arg16 : memref<40x128xf32, #tpu.memory_space<vmem>>) target(%dma_start3A_196 : memref<40x128xf32, #tpu.memory_space<vmem_shared>>) target_semaphore(%run_scoped3A : memref<!tpu.dma_semaphore, #tpu.memory_space<semaphore_mem>>)
      %dma_wait3A_197 = arith.constant 0 : i32
      %dma_wait3A_198 = tpu.memref_slice %arg9[%add3A_59, %dma_wait3A_197] : memref<10240x128xf32, #tpu.memory_space<vmem_shared>> -> memref<40x128xf32, #tpu.memory_space<vmem_shared>>
      %dma_wait3A_199 = arith.constant 0 : i32
      %dma_wait3A_200 = tpu.memref_slice %arg9[%add3A_59, %dma_wait3A_199] : memref<10240x128xf32, #tpu.memory_space<vmem_shared>> -> memref<40x128xf32, #tpu.memory_space<vmem_shared>>
      tpu.wait_dma2 semaphore(%run_scoped3A : memref<!tpu.dma_semaphore, #tpu.memory_space<semaphore_mem>>) src(%arg16 : memref<40x128xf32, #tpu.memory_space<vmem>>) dst(%dma_wait3A_200 : memref<40x128xf32, #tpu.memory_space<vmem_shared>>)
      tpu.yield
    }) : () -> ()
    %mul3A_60 = arith.constant 640 : i32
    %mul3A_61 = arith.muli %arg1, %mul3A_60 : i32
    %add3A_62 = arith.constant 480 : i32
    %add3A_63 = arith.addi %mul3A_61, %add3A_62 : i32
    "tpu.region"() ({
      %run_scoped3A = tpu.sem_alloc : memref<!tpu.dma_semaphore, #tpu.memory_space<semaphore_mem>>
      %dma_start3A_193 = arith.constant 0 : i32
      %dma_start3A_194 = tpu.memref_slice %arg9[%add3A_63, %dma_start3A_193] : memref<10240x128xf32, #tpu.memory_space<vmem_shared>> -> memref<40x128xf32, #tpu.memory_space<vmem_shared>>
      %dma_start3A_195 = arith.constant 0 : i32
      %dma_start3A_196 = tpu.memref_slice %arg9[%add3A_63, %dma_start3A_195] : memref<10240x128xf32, #tpu.memory_space<vmem_shared>> -> memref<40x128xf32, #tpu.memory_space<vmem_shared>>
      tpu.enqueue_dma source(%arg16 : memref<40x128xf32, #tpu.memory_space<vmem>>) target(%dma_start3A_196 : memref<40x128xf32, #tpu.memory_space<vmem_shared>>) target_semaphore(%run_scoped3A : memref<!tpu.dma_semaphore, #tpu.memory_space<semaphore_mem>>)
      %dma_wait3A_197 = arith.constant 0 : i32
      %dma_wait3A_198 = tpu.memref_slice %arg9[%add3A_63, %dma_wait3A_197] : memref<10240x128xf32, #tpu.memory_space<vmem_shared>> -> memref<40x128xf32, #tpu.memory_space<vmem_shared>>
      %dma_wait3A_199 = arith.constant 0 : i32
      %dma_wait3A_200 = tpu.memref_slice %arg9[%add3A_63, %dma_wait3A_199] : memref<10240x128xf32, #tpu.memory_space<vmem_shared>> -> memref<40x128xf32, #tpu.memory_space<vmem_shared>>
      tpu.wait_dma2 semaphore(%run_scoped3A : memref<!tpu.dma_semaphore, #tpu.memory_space<semaphore_mem>>) src(%arg16 : memref<40x128xf32, #tpu.memory_space<vmem>>) dst(%dma_wait3A_200 : memref<40x128xf32, #tpu.memory_space<vmem_shared>>)
      tpu.yield
    }) : () -> ()
    %mul3A_64 = arith.constant 640 : i32
    %mul3A_65 = arith.muli %arg1, %mul3A_64 : i32
    %add3A_66 = arith.constant 520 : i32
    %add3A_67 = arith.addi %mul3A_65, %add3A_66 : i32
    "tpu.region"() ({
      %run_scoped3A = tpu.sem_alloc : memref<!tpu.dma_semaphore, #tpu.memory_space<semaphore_mem>>
      %dma_start3A_193 = arith.constant 0 : i32
      %dma_start3A_194 = tpu.memref_slice %arg9[%add3A_67, %dma_start3A_193] : memref<10240x128xf32, #tpu.memory_space<vmem_shared>> -> memref<40x128xf32, #tpu.memory_space<vmem_shared>>
      %dma_start3A_195 = arith.constant 0 : i32
      %dma_start3A_196 = tpu.memref_slice %arg9[%add3A_67, %dma_start3A_195] : memref<10240x128xf32, #tpu.memory_space<vmem_shared>> -> memref<40x128xf32, #tpu.memory_space<vmem_shared>>
      tpu.enqueue_dma source(%arg16 : memref<40x128xf32, #tpu.memory_space<vmem>>) target(%dma_start3A_196 : memref<40x128xf32, #tpu.memory_space<vmem_shared>>) target_semaphore(%run_scoped3A : memref<!tpu.dma_semaphore, #tpu.memory_space<semaphore_mem>>)
      %dma_wait3A_197 = arith.constant 0 : i32
      %dma_wait3A_198 = tpu.memref_slice %arg9[%add3A_67, %dma_wait3A_197] : memref<10240x128xf32, #tpu.memory_space<vmem_shared>> -> memref<40x128xf32, #tpu.memory_space<vmem_shared>>
      %dma_wait3A_199 = arith.constant 0 : i32
      %dma_wait3A_200 = tpu.memref_slice %arg9[%add3A_67, %dma_wait3A_199] : memref<10240x128xf32, #tpu.memory_space<vmem_shared>> -> memref<40x128xf32, #tpu.memory_space<vmem_shared>>
      tpu.wait_dma2 semaphore(%run_scoped3A : memref<!tpu.dma_semaphore, #tpu.memory_space<semaphore_mem>>) src(%arg16 : memref<40x128xf32, #tpu.memory_space<vmem>>) dst(%dma_wait3A_200 : memref<40x128xf32, #tpu.memory_space<vmem_shared>>)
      tpu.yield
    }) : () -> ()
    %mul3A_68 = arith.constant 640 : i32
    %mul3A_69 = arith.muli %arg1, %mul3A_68 : i32
    %add3A_70 = arith.constant 560 : i32
    %add3A_71 = arith.addi %mul3A_69, %add3A_70 : i32
    "tpu.region"() ({
      %run_scoped3A = tpu.sem_alloc : memref<!tpu.dma_semaphore, #tpu.memory_space<semaphore_mem>>
      %dma_start3A_193 = arith.constant 0 : i32
      %dma_start3A_194 = tpu.memref_slice %arg9[%add3A_71, %dma_start3A_193] : memref<10240x128xf32, #tpu.memory_space<vmem_shared>> -> memref<40x128xf32, #tpu.memory_space<vmem_shared>>
      %dma_start3A_195 = arith.constant 0 : i32
      %dma_start3A_196 = tpu.memref_slice %arg9[%add3A_71, %dma_start3A_195] : memref<10240x128xf32, #tpu.memory_space<vmem_shared>> -> memref<40x128xf32, #tpu.memory_space<vmem_shared>>
      tpu.enqueue_dma source(%arg16 : memref<40x128xf32, #tpu.memory_space<vmem>>) target(%dma_start3A_196 : memref<40x128xf32, #tpu.memory_space<vmem_shared>>) target_semaphore(%run_scoped3A : memref<!tpu.dma_semaphore, #tpu.memory_space<semaphore_mem>>)
      %dma_wait3A_197 = arith.constant 0 : i32
      %dma_wait3A_198 = tpu.memref_slice %arg9[%add3A_71, %dma_wait3A_197] : memref<10240x128xf32, #tpu.memory_space<vmem_shared>> -> memref<40x128xf32, #tpu.memory_space<vmem_shared>>
      %dma_wait3A_199 = arith.constant 0 : i32
      %dma_wait3A_200 = tpu.memref_slice %arg9[%add3A_71, %dma_wait3A_199] : memref<10240x128xf32, #tpu.memory_space<vmem_shared>> -> memref<40x128xf32, #tpu.memory_space<vmem_shared>>
      tpu.wait_dma2 semaphore(%run_scoped3A : memref<!tpu.dma_semaphore, #tpu.memory_space<semaphore_mem>>) src(%arg16 : memref<40x128xf32, #tpu.memory_space<vmem>>) dst(%dma_wait3A_200 : memref<40x128xf32, #tpu.memory_space<vmem_shared>>)
      tpu.yield
    }) : () -> ()
    %mul3A_72 = arith.constant 640 : i32
    %mul3A_73 = arith.muli %arg1, %mul3A_72 : i32
    %add3A_74 = arith.constant 600 : i32
    %add3A_75 = arith.addi %mul3A_73, %add3A_74 : i32
    "tpu.region"() ({
      %run_scoped3A = tpu.sem_alloc : memref<!tpu.dma_semaphore, #tpu.memory_space<semaphore_mem>>
      %dma_start3A_193 = arith.constant 0 : i32
      %dma_start3A_194 = tpu.memref_slice %arg9[%add3A_75, %dma_start3A_193] : memref<10240x128xf32, #tpu.memory_space<vmem_shared>> -> memref<40x128xf32, #tpu.memory_space<vmem_shared>>
      %dma_start3A_195 = arith.constant 0 : i32
      %dma_start3A_196 = tpu.memref_slice %arg9[%add3A_75, %dma_start3A_195] : memref<10240x128xf32, #tpu.memory_space<vmem_shared>> -> memref<40x128xf32, #tpu.memory_space<vmem_shared>>
      tpu.enqueue_dma source(%arg16 : memref<40x128xf32, #tpu.memory_space<vmem>>) target(%dma_start3A_196 : memref<40x128xf32, #tpu.memory_space<vmem_shared>>) target_semaphore(%run_scoped3A : memref<!tpu.dma_semaphore, #tpu.memory_space<semaphore_mem>>)
      %dma_wait3A_197 = arith.constant 0 : i32
      %dma_wait3A_198 = tpu.memref_slice %arg9[%add3A_75, %dma_wait3A_197] : memref<10240x128xf32, #tpu.memory_space<vmem_shared>> -> memref<40x128xf32, #tpu.memory_space<vmem_shared>>
      %dma_wait3A_199 = arith.constant 0 : i32
      %dma_wait3A_200 = tpu.memref_slice %arg9[%add3A_75, %dma_wait3A_199] : memref<10240x128xf32, #tpu.memory_space<vmem_shared>> -> memref<40x128xf32, #tpu.memory_space<vmem_shared>>
      tpu.wait_dma2 semaphore(%run_scoped3A : memref<!tpu.dma_semaphore, #tpu.memory_space<semaphore_mem>>) src(%arg16 : memref<40x128xf32, #tpu.memory_space<vmem>>) dst(%dma_wait3A_200 : memref<40x128xf32, #tpu.memory_space<vmem_shared>>)
      tpu.yield
    }) : () -> ()
    %scan3A_76 = arith.constant 0 : i32
    %scan3A_77 = arith.constant 0 : i32
    %scan3A_78 = arith.constant 640 : i32
    %scan3A_79 = arith.addi %scan3A_77, %scan3A_78 : i32
    %scan3A_80 = arith.constant 1 : i32
    %scan3A_81 = scf.for %scan3A_193 = %scan3A_77 to %scan3A_79 step %scan3A_80 iter_args(%scan3A_194 = %scan3A_76) -> (i32)  : i32 {
      %mul3A_195 = arith.constant 16 : i32
      %mul3A_196 = arith.muli %scan3A_193, %mul3A_195 : i32
      %swap3A_197 = arith.index_cast %mul3A_196 : i32 to index
      %swap3A_198 = tpu.vector_load %arg22[%swap3A_197] {strides = array<i32>} : memref<10240xf32, #tpu.memory_space<vmem>>, vector<16xf32>,
      tpu.vector_store %arg22[%swap3A_197], %broadcast_in_dim3A_3 {strides = array<i32>} : memref<10240xf32, #tpu.memory_space<vmem>>, vector<16xf32>,
      %scan3A_199 = arith.constant 0 : i32
      scf.yield %scan3A_199 : i32
    }
    %scan3A_82 = arith.constant 640 : i32
    %barrier3A = arith.constant 0 : index
    tpu.barrier barrier_id(%barrier3A)
    %broadcast_in_dim3A_83 = arith.constant 16 : i32
    %broadcast_in_dim3A_84 = vector.broadcast %broadcast_in_dim3A_83 : i32 to vector<16xi32>
    %broadcast_in_dim3A_85 = arith.constant -65536 : i32
    %broadcast_in_dim3A_86 = vector.broadcast %broadcast_in_dim3A_85 : i32 to vector<16xi32>
    %add3A_87 = arith.constant 0 : i32
    %add3A_88 = arith.addi %mul3A_2, %add3A_87 : i32
    "tpu.region"() ({
      %run_scoped3A = tpu.sem_alloc : memref<!tpu.dma_semaphore, #tpu.memory_space<semaphore_mem>>
      %dma_start3A_193 = tpu.memref_slice %arg6[%add3A_88] : memref<320000xi32, #tpu.memory_space<hbm>> -> memref<400xi32, #tpu.memory_space<hbm>>
      %dma_start3A_194 = tpu.memref_slice %arg6[%add3A_88] : memref<320000xi32, #tpu.memory_space<hbm>> -> memref<400xi32, #tpu.memory_space<hbm>>
      tpu.enqueue_dma source(%dma_start3A_194 : memref<400xi32, #tpu.memory_space<hbm>>) target(%arg10 : memref<400xi32, #tpu.memory_space<vmem>>) target_semaphore(%run_scoped3A : memref<!tpu.dma_semaphore, #tpu.memory_space<semaphore_mem>>)
      %dma_wait3A_195 = tpu.memref_slice %arg6[%add3A_88] : memref<320000xi32, #tpu.memory_space<hbm>> -> memref<400xi32, #tpu.memory_space<hbm>>
      %dma_wait3A_196 = tpu.memref_slice %arg6[%add3A_88] : memref<320000xi32, #tpu.memory_space<hbm>> -> memref<400xi32, #tpu.memory_space<hbm>>
      tpu.wait_dma2 semaphore(%run_scoped3A : memref<!tpu.dma_semaphore, #tpu.memory_space<semaphore_mem>>) src(%dma_wait3A_196 : memref<400xi32, #tpu.memory_space<hbm>>) dst(%arg10 : memref<400xi32, #tpu.memory_space<vmem>>)
      tpu.yield
    }) : () -> ()
    "tpu.region"() ({
      %run_scoped3A = tpu.sem_alloc : memref<!tpu.dma_semaphore, #tpu.memory_space<semaphore_mem>>
      %dma_start3A_193 = tpu.memref_slice %arg5[%add3A_88] : memref<320000xi32, #tpu.memory_space<hbm>> -> memref<400xi32, #tpu.memory_space<hbm>>
      %dma_start3A_194 = tpu.memref_slice %arg5[%add3A_88] : memref<320000xi32, #tpu.memory_space<hbm>> -> memref<400xi32, #tpu.memory_space<hbm>>
      tpu.enqueue_dma source(%dma_start3A_194 : memref<400xi32, #tpu.memory_space<hbm>>) target(%arg11 : memref<400xi32, #tpu.memory_space<vmem>>) target_semaphore(%run_scoped3A : memref<!tpu.dma_semaphore, #tpu.memory_space<semaphore_mem>>)
      %dma_wait3A_195 = tpu.memref_slice %arg5[%add3A_88] : memref<320000xi32, #tpu.memory_space<hbm>> -> memref<400xi32, #tpu.memory_space<hbm>>
      %dma_wait3A_196 = tpu.memref_slice %arg5[%add3A_88] : memref<320000xi32, #tpu.memory_space<hbm>> -> memref<400xi32, #tpu.memory_space<hbm>>
      tpu.wait_dma2 semaphore(%run_scoped3A : memref<!tpu.dma_semaphore, #tpu.memory_space<semaphore_mem>>) src(%dma_wait3A_196 : memref<400xi32, #tpu.memory_space<hbm>>) dst(%arg11 : memref<400xi32, #tpu.memory_space<vmem>>)
      tpu.yield
    }) : () -> ()
    %get3A = arith.constant 0 : index
    %get3A_89 = tpu.vector_load %arg10[%get3A] {strides = array<i32>} : memref<400xi32, #tpu.memory_space<vmem>>, vector<16xi32>,
    tpu.vector_store_idx %arg22[%get3A_89], %broadcast_in_dim3A_5 {add = true} : memref<10240xf32, #tpu.memory_space<vmem>>[vector<16xi32>], vector<16xf32>,
    %get3A_90 = arith.constant 16 : index
    %get3A_91 = tpu.vector_load %arg10[%get3A_90] {strides = array<i32>} : memref<400xi32, #tpu.memory_space<vmem>>, vector<16xi32>,
    tpu.vector_store_idx %arg22[%get3A_91], %broadcast_in_dim3A_5 {add = true} : memref<10240xf32, #tpu.memory_space<vmem>>[vector<16xi32>], vector<16xf32>,
    %get3A_92 = arith.constant 32 : index
    %get3A_93 = tpu.vector_load %arg10[%get3A_92] {strides = array<i32>} : memref<400xi32, #tpu.memory_space<vmem>>, vector<16xi32>,
    tpu.vector_store_idx %arg22[%get3A_93], %broadcast_in_dim3A_5 {add = true} : memref<10240xf32, #tpu.memory_space<vmem>>[vector<16xi32>], vector<16xf32>,
    %get3A_94 = arith.constant 48 : index
    %get3A_95 = tpu.vector_load %arg10[%get3A_94] {strides = array<i32>} : memref<400xi32, #tpu.memory_space<vmem>>, vector<16xi32>,
    tpu.vector_store_idx %arg22[%get3A_95], %broadcast_in_dim3A_5 {add = true} : memref<10240xf32, #tpu.memory_space<vmem>>[vector<16xi32>], vector<16xf32>,
    %get3A_96 = arith.constant 64 : index
    %get3A_97 = tpu.vector_load %arg10[%get3A_96] {strides = array<i32>} : memref<400xi32, #tpu.memory_space<vmem>>, vector<16xi32>,
    tpu.vector_store_idx %arg22[%get3A_97], %broadcast_in_dim3A_5 {add = true} : memref<10240xf32, #tpu.memory_space<vmem>>[vector<16xi32>], vector<16xf32>,
    %get3A_98 = arith.constant 80 : index
    %get3A_99 = tpu.vector_load %arg10[%get3A_98] {strides = array<i32>} : memref<400xi32, #tpu.memory_space<vmem>>, vector<16xi32>,
    tpu.vector_store_idx %arg22[%get3A_99], %broadcast_in_dim3A_5 {add = true} : memref<10240xf32, #tpu.memory_space<vmem>>[vector<16xi32>], vector<16xf32>,
    %get3A_100 = arith.constant 96 : index
    %get3A_101 = tpu.vector_load %arg10[%get3A_100] {strides = array<i32>} : memref<400xi32, #tpu.memory_space<vmem>>, vector<16xi32>,
    tpu.vector_store_idx %arg22[%get3A_101], %broadcast_in_dim3A_5 {add = true} : memref<10240xf32, #tpu.memory_space<vmem>>[vector<16xi32>], vector<16xf32>,
    %get3A_102 = arith.constant 112 : index
    %get3A_103 = tpu.vector_load %arg10[%get3A_102] {strides = array<i32>} : memref<400xi32, #tpu.memory_space<vmem>>, vector<16xi32>,
    tpu.vector_store_idx %arg22[%get3A_103], %broadcast_in_dim3A_5 {add = true} : memref<10240xf32, #tpu.memory_space<vmem>>[vector<16xi32>], vector<16xf32>,
    %get3A_104 = arith.constant 128 : index
    %get3A_105 = tpu.vector_load %arg10[%get3A_104] {strides = array<i32>} : memref<400xi32, #tpu.memory_space<vmem>>, vector<16xi32>,
    tpu.vector_store_idx %arg22[%get3A_105], %broadcast_in_dim3A_5 {add = true} : memref<10240xf32, #tpu.memory_space<vmem>>[vector<16xi32>], vector<16xf32>,
    %get3A_106 = arith.constant 144 : index
    %get3A_107 = tpu.vector_load %arg10[%get3A_106] {strides = array<i32>} : memref<400xi32, #tpu.memory_space<vmem>>, vector<16xi32>,
    tpu.vector_store_idx %arg22[%get3A_107], %broadcast_in_dim3A_5 {add = true} : memref<10240xf32, #tpu.memory_space<vmem>>[vector<16xi32>], vector<16xf32>,
    %get3A_108 = arith.constant 160 : index
    %get3A_109 = tpu.vector_load %arg10[%get3A_108] {strides = array<i32>} : memref<400xi32, #tpu.memory_space<vmem>>, vector<16xi32>,
    tpu.vector_store_idx %arg22[%get3A_109], %broadcast_in_dim3A_5 {add = true} : memref<10240xf32, #tpu.memory_space<vmem>>[vector<16xi32>], vector<16xf32>,
    %get3A_110 = arith.constant 176 : index
    %get3A_111 = tpu.vector_load %arg10[%get3A_110] {strides = array<i32>} : memref<400xi32, #tpu.memory_space<vmem>>, vector<16xi32>,
    tpu.vector_store_idx %arg22[%get3A_111], %broadcast_in_dim3A_5 {add = true} : memref<10240xf32, #tpu.memory_space<vmem>>[vector<16xi32>], vector<16xf32>,
    %get3A_112 = arith.constant 192 : index
    %get3A_113 = tpu.vector_load %arg10[%get3A_112] {strides = array<i32>} : memref<400xi32, #tpu.memory_space<vmem>>, vector<16xi32>,
    tpu.vector_store_idx %arg22[%get3A_113], %broadcast_in_dim3A_5 {add = true} : memref<10240xf32, #tpu.memory_space<vmem>>[vector<16xi32>], vector<16xf32>,
    %get3A_114 = arith.constant 208 : index
    %get3A_115 = tpu.vector_load %arg10[%get3A_114] {strides = array<i32>} : memref<400xi32, #tpu.memory_space<vmem>>, vector<16xi32>,
    tpu.vector_store_idx %arg22[%get3A_115], %broadcast_in_dim3A_5 {add = true} : memref<10240xf32, #tpu.memory_space<vmem>>[vector<16xi32>], vector<16xf32>,
    %get3A_116 = arith.constant 224 : index
    %get3A_117 = tpu.vector_load %arg10[%get3A_116] {strides = array<i32>} : memref<400xi32, #tpu.memory_space<vmem>>, vector<16xi32>,
    tpu.vector_store_idx %arg22[%get3A_117], %broadcast_in_dim3A_5 {add = true} : memref<10240xf32, #tpu.memory_space<vmem>>[vector<16xi32>], vector<16xf32>,
    %get3A_118 = arith.constant 240 : index
    %get3A_119 = tpu.vector_load %arg10[%get3A_118] {strides = array<i32>} : memref<400xi32, #tpu.memory_space<vmem>>, vector<16xi32>,
    tpu.vector_store_idx %arg22[%get3A_119], %broadcast_in_dim3A_5 {add = true} : memref<10240xf32, #tpu.memory_space<vmem>>[vector<16xi32>], vector<16xf32>,
    %get3A_120 = arith.constant 256 : index
    %get3A_121 = tpu.vector_load %arg10[%get3A_120] {strides = array<i32>} : memref<400xi32, #tpu.memory_space<vmem>>, vector<16xi32>,
    tpu.vector_store_idx %arg22[%get3A_121], %broadcast_in_dim3A_5 {add = true} : memref<10240xf32, #tpu.memory_space<vmem>>[vector<16xi32>], vector<16xf32>,
    %get3A_122 = arith.constant 272 : index
    %get3A_123 = tpu.vector_load %arg10[%get3A_122] {strides = array<i32>} : memref<400xi32, #tpu.memory_space<vmem>>, vector<16xi32>,
    tpu.vector_store_idx %arg22[%get3A_123], %broadcast_in_dim3A_5 {add = true} : memref<10240xf32, #tpu.memory_space<vmem>>[vector<16xi32>], vector<16xf32>,
    %get3A_124 = arith.constant 288 : index
    %get3A_125 = tpu.vector_load %arg10[%get3A_124] {strides = array<i32>} : memref<400xi32, #tpu.memory_space<vmem>>, vector<16xi32>,
    tpu.vector_store_idx %arg22[%get3A_125], %broadcast_in_dim3A_5 {add = true} : memref<10240xf32, #tpu.memory_space<vmem>>[vector<16xi32>], vector<16xf32>,
    %get3A_126 = arith.constant 304 : index
    %get3A_127 = tpu.vector_load %arg10[%get3A_126] {strides = array<i32>} : memref<400xi32, #tpu.memory_space<vmem>>, vector<16xi32>,
    tpu.vector_store_idx %arg22[%get3A_127], %broadcast_in_dim3A_5 {add = true} : memref<10240xf32, #tpu.memory_space<vmem>>[vector<16xi32>], vector<16xf32>,
    %get3A_128 = arith.constant 320 : index
    %get3A_129 = tpu.vector_load %arg10[%get3A_128] {strides = array<i32>} : memref<400xi32, #tpu.memory_space<vmem>>, vector<16xi32>,
    tpu.vector_store_idx %arg22[%get3A_129], %broadcast_in_dim3A_5 {add = true} : memref<10240xf32, #tpu.memory_space<vmem>>[vector<16xi32>], vector<16xf32>,
    %get3A_130 = arith.constant 336 : index
    %get3A_131 = tpu.vector_load %arg10[%get3A_130] {strides = array<i32>} : memref<400xi32, #tpu.memory_space<vmem>>, vector<16xi32>,
    tpu.vector_store_idx %arg22[%get3A_131], %broadcast_in_dim3A_5 {add = true} : memref<10240xf32, #tpu.memory_space<vmem>>[vector<16xi32>], vector<16xf32>,
    %get3A_132 = arith.constant 352 : index
    %get3A_133 = tpu.vector_load %arg10[%get3A_132] {strides = array<i32>} : memref<400xi32, #tpu.memory_space<vmem>>, vector<16xi32>,
    tpu.vector_store_idx %arg22[%get3A_133], %broadcast_in_dim3A_5 {add = true} : memref<10240xf32, #tpu.memory_space<vmem>>[vector<16xi32>], vector<16xf32>,
    %get3A_134 = arith.constant 368 : index
    %get3A_135 = tpu.vector_load %arg10[%get3A_134] {strides = array<i32>} : memref<400xi32, #tpu.memory_space<vmem>>, vector<16xi32>,
    tpu.vector_store_idx %arg22[%get3A_135], %broadcast_in_dim3A_5 {add = true} : memref<10240xf32, #tpu.memory_space<vmem>>[vector<16xi32>], vector<16xf32>,
    %get3A_136 = arith.constant 384 : index
    %get3A_137 = tpu.vector_load %arg10[%get3A_136] {strides = array<i32>} : memref<400xi32, #tpu.memory_space<vmem>>, vector<16xi32>,
    tpu.vector_store_idx %arg22[%get3A_137], %broadcast_in_dim3A_5 {add = true} : memref<10240xf32, #tpu.memory_space<vmem>>[vector<16xi32>], vector<16xf32>,
    %get3A_138 = arith.constant 0 : index
    %get3A_139 = tpu.vector_load %arg10[%get3A_138] {strides = array<i32>} : memref<400xi32, #tpu.memory_space<vmem>>, vector<16xi32>,
    %swap3A = arith.constant 0 : index
    %swap3A_140 = tpu.vector_load %arg12[%swap3A] {strides = array<i32>} : memref<40xi32, #tpu.memory_space<vmem>>, vector<16xi32>,
    tpu.vector_store %arg12[%swap3A], %get3A_139 {strides = array<i32>} : memref<40xi32, #tpu.memory_space<vmem>>, vector<16xi32>,
    %get3A_141 = arith.constant 16 : index
    %get3A_142 = tpu.vector_load %arg10[%get3A_141] {strides = array<i32>} : memref<400xi32, #tpu.memory_space<vmem>>, vector<16xi32>,
    %swap3A_143 = arith.constant 16 : index
    %swap3A_144 = tpu.vector_load %arg12[%swap3A_143] {strides = array<i32>} : memref<40xi32, #tpu.memory_space<vmem>>, vector<16xi32>,
    tpu.vector_store %arg12[%swap3A_143], %get3A_142 {strides = array<i32>} : memref<40xi32, #tpu.memory_space<vmem>>, vector<16xi32>,
    %get3A_145 = arith.constant 24 : index
    %get3A_146 = tpu.vector_load %arg10[%get3A_145] {strides = array<i32>} : memref<400xi32, #tpu.memory_space<vmem>>, vector<16xi32>,
    %swap3A_147 = arith.constant 24 : index
    %swap3A_148 = tpu.vector_load %arg12[%swap3A_147] {strides = array<i32>} : memref<40xi32, #tpu.memory_space<vmem>>, vector<16xi32>,
    tpu.vector_store %arg12[%swap3A_147], %get3A_146 {strides = array<i32>} : memref<40xi32, #tpu.memory_space<vmem>>, vector<16xi32>,
    %get3A_149 = arith.constant 0 : index
    %get3A_150 = tpu.vector_load %arg11[%get3A_149] {strides = array<i32>} : memref<400xi32, #tpu.memory_space<vmem>>, vector<16xi32>,
    %swap3A_151 = arith.constant 0 : index
    %swap3A_152 = tpu.vector_load %arg13[%swap3A_151] {strides = array<i32>} : memref<40xi32, #tpu.memory_space<vmem>>, vector<16xi32>,
    tpu.vector_store %arg13[%swap3A_151], %get3A_150 {strides = array<i32>} : memref<40xi32, #tpu.memory_space<vmem>>, vector<16xi32>,
    %get3A_153 = arith.constant 16 : index
    %get3A_154 = tpu.vector_load %arg11[%get3A_153] {strides = array<i32>} : memref<400xi32, #tpu.memory_space<vmem>>, vector<16xi32>,
    %swap3A_155 = arith.constant 16 : index
    %swap3A_156 = tpu.vector_load %arg13[%swap3A_155] {strides = array<i32>} : memref<40xi32, #tpu.memory_space<vmem>>, vector<16xi32>,
    tpu.vector_store %arg13[%swap3A_155], %get3A_154 {strides = array<i32>} : memref<40xi32, #tpu.memory_space<vmem>>, vector<16xi32>,
    %get3A_157 = arith.constant 24 : index
    %get3A_158 = tpu.vector_load %arg11[%get3A_157] {strides = array<i32>} : memref<400xi32, #tpu.memory_space<vmem>>, vector<16xi32>,
    %swap3A_159 = arith.constant 24 : index
    %swap3A_160 = tpu.vector_load %arg13[%swap3A_159] {strides = array<i32>} : memref<40xi32, #tpu.memory_space<vmem>>, vector<16xi32>,
    tpu.vector_store %arg13[%swap3A_159], %get3A_158 {strides = array<i32>} : memref<40xi32, #tpu.memory_space<vmem>>, vector<16xi32>,
    %dma_start3A = arith.constant 0 : i32
    %dma_start3A_161 = arith.constant 0 : i32
    %dma_start3A_162 = tpu.memref_slice %arg2[%dma_start3A, %dma_start3A_161] : memref<10000x128xf32, #tpu.memory_space<hbm>> -> memref<10000x128xf32, #tpu.memory_space<hbm>>
    tpu.enqueue_indirect_dma source(%dma_start3A_162 : memref<10000x128xf32, #tpu.memory_space<hbm>>) target(%arg16 : memref<40x128xf32, #tpu.memory_space<vmem>>) offsets(%arg12 : memref<40xi32, #tpu.memory_space<vmem>>) semaphore(%arg23 : memref<!tpu.dma_semaphore, #tpu.memory_space<semaphore_mem>>)
    %dma_start3A_163 = arith.constant 0 : i32
    %dma_start3A_164 = arith.constant 0 : i32
    %dma_start3A_165 = tpu.memref_slice %arg3[%dma_start3A_163, %dma_start3A_164] : memref<10000x128xf32, #tpu.memory_space<hbm>> -> memref<10000x128xf32, #tpu.memory_space<hbm>>
    tpu.enqueue_indirect_dma source(%dma_start3A_165 : memref<10000x128xf32, #tpu.memory_space<hbm>>) target(%arg17 : memref<40x128xf32, #tpu.memory_space<vmem>>) offsets(%arg13 : memref<40xi32, #tpu.memory_space<vmem>>) semaphore(%arg23 : memref<!tpu.dma_semaphore, #tpu.memory_space<semaphore_mem>>)
    %dma_start3A_166 = arith.constant 0 : i32
    %dma_start3A_167 = tpu.memref_slice %arg4[%mul3A_2, %dma_start3A_166] : memref<320000x64xi32, #tpu.memory_space<hbm>> -> memref<40x64xi32, #tpu.memory_space<hbm>>
    %dma_start3A_168 = arith.constant 0 : i32
    %dma_start3A_169 = tpu.memref_slice %arg4[%mul3A_2, %dma_start3A_168] : memref<320000x64xi32, #tpu.memory_space<hbm>> -> memref<40x64xi32, #tpu.memory_space<hbm>>
    tpu.enqueue_dma source(%dma_start3A_169 : memref<40x64xi32, #tpu.memory_space<hbm>>) target(%arg18 : memref<40x64xi32, #tpu.memory_space<vmem>>) target_semaphore(%arg23 : memref<!tpu.dma_semaphore, #tpu.memory_space<semaphore_mem>>)
    %scan3A_170 = arith.constant 0 : i32
    %scan3A_171 = arith.constant 0 : i32
    %scan3A_172 = arith.constant 125 : i32
    %scan3A_173 = arith.addi %scan3A_171, %scan3A_172 : i32
    %scan3A_174 = arith.constant 1 : i32
    %scan3A_175 = scf.for %scan3A_193 = %scan3A_171 to %scan3A_173 step %scan3A_174 iter_args(%scan3A_194 = %scan3A_170) -> (i32)  : i32 {
      %jit3A = arith.constant 5 : i32
      %eq3A = arith.constant 0 : i32
      %eq3A_195 = arith.cmpi eq, %jit3A, %eq3A : i32
      %jit3A_196 = arith.constant 1 : i32
      %select_n3A = arith.select %eq3A_195, %jit3A_196, %jit3A : i32
      %rem3A = arith.remsi %scan3A_193, %select_n3A : i32
      %ne3A = arith.constant 0 : i32
      %ne3A_197 = arith.cmpi ne, %rem3A, %ne3A : i32
      %lt3A = arith.constant 0 : i32
      %lt3A_198 = arith.cmpi slt, %rem3A, %lt3A : i32
      %lt3A_199 = arith.constant 0 : i32
      %lt3A_200 = arith.cmpi slt, %select_n3A, %lt3A_199 : i32
      %ne3A_201 = arith.xori %lt3A_198, %lt3A_200 : i1
      %and3A = arith.andi %ne3A_201, %ne3A_197 : i1
      %add3A_202 = arith.addi %rem3A, %select_n3A : i32
      %select_n3A_203 = arith.select %and3A, %add3A_202, %rem3A : i32
      %mul3A_204 = arith.constant 80 : i32
      %mul3A_205 = arith.muli %scan3A_193, %mul3A_204 : i32
      %add3A_206 = arith.addi %mul3A_2, %mul3A_205 : i32
      %gt3A = arith.constant 0 : i32
      %gt3A_207 = arith.cmpi sgt, %scan3A_193, %gt3A : i32
      %convert_element_type3A = arith.extui %gt3A_207 : i1 to i32
      %cond3A = arith.constant 0 : i32
      %cond3A_208 = arith.cmpi ne, %convert_element_type3A, %cond3A : i32
      scf.if %cond3A_208 {
        %dma_wait3A_317 = arith.constant 0 : i32
        %dma_wait3A_318 = arith.constant 0 : i32
        %dma_wait3A_319 = tpu.memref_slice %arg9[%dma_wait3A_317, %dma_wait3A_318] : memref<10240x128xf32, #tpu.memory_space<vmem_shared>> -> memref<40x128xf32, #tpu.memory_space<vmem_shared>>
        %dma_wait3A_320 = arith.constant 0 : i32
        %dma_wait3A_321 = arith.constant 0 : i32
        %dma_wait3A_322 = tpu.memref_slice %arg9[%dma_wait3A_320, %dma_wait3A_321] : memref<10240x128xf32, #tpu.memory_space<vmem_shared>> -> memref<40x128xf32, #tpu.memory_space<vmem_shared>>
        tpu.wait_dma2 semaphore(%arg26 : memref<!tpu.dma_semaphore, #tpu.memory_space<semaphore_mem>>) src(%arg19 : memref<40x128xf32, #tpu.memory_space<vmem>>) dst(%dma_wait3A_322 : memref<40x128xf32, #tpu.memory_space<vmem_shared>>)
      } else {
      }
      %mul3A_209 = arith.constant 2 : i32
      %mul3A_210 = arith.muli %mul3A_209, %select_n3A_203 : i32
      %add3A_211 = arith.constant 1 : i32
      %add3A_212 = arith.addi %mul3A_210, %add3A_211 : i32
      %add3A_213 = arith.constant 40 : i32
      %add3A_214 = arith.addi %add3A_206, %add3A_213 : i32
      %mul3A_215 = arith.constant 40 : i32
      %mul3A_216 = arith.muli %add3A_212, %mul3A_215 : i32
      %get3A_217 = arith.index_cast %mul3A_216 : i32 to index
      %get3A_218 = tpu.vector_load %arg10[%get3A_217] {strides = array<i32>} : memref<400xi32, #tpu.memory_space<vmem>>, vector<16xi32>,
      %swap3A_219 = arith.constant 0 : index
      %swap3A_220 = tpu.vector_load %arg14[%swap3A_219] {strides = array<i32>} : memref<40xi32, #tpu.memory_space<vmem>>, vector<16xi32>,
      tpu.vector_store %arg14[%swap3A_219], %get3A_218 {strides = array<i32>} : memref<40xi32, #tpu.memory_space<vmem>>, vector<16xi32>,
      %add3A_221 = arith.constant 16 : i32
      %add3A_222 = arith.addi %mul3A_216, %add3A_221 : i32
      %get3A_223 = arith.index_cast %add3A_222 : i32 to index
      %get3A_224 = tpu.vector_load %arg10[%get3A_223] {strides = array<i32>} : memref<400xi32, #tpu.memory_space<vmem>>, vector<16xi32>,
      %swap3A_225 = arith.constant 16 : index
      %swap3A_226 = tpu.vector_load %arg14[%swap3A_225] {strides = array<i32>} : memref<40xi32, #tpu.memory_space<vmem>>, vector<16xi32>,
      tpu.vector_store %arg14[%swap3A_225], %get3A_224 {strides = array<i32>} : memref<40xi32, #tpu.memory_space<vmem>>, vector<16xi32>,
      %add3A_227 = arith.constant 24 : i32
      %add3A_228 = arith.addi %mul3A_216, %add3A_227 : i32
      %get3A_229 = arith.index_cast %add3A_228 : i32 to index
      %get3A_230 = tpu.vector_load %arg10[%get3A_229] {strides = array<i32>} : memref<400xi32, #tpu.memory_space<vmem>>, vector<16xi32>,
      %swap3A_231 = arith.constant 24 : index
      %swap3A_232 = tpu.vector_load %arg14[%swap3A_231] {strides = array<i32>} : memref<40xi32, #tpu.memory_space<vmem>>, vector<16xi32>,
      tpu.vector_store %arg14[%swap3A_231], %get3A_230 {strides = array<i32>} : memref<40xi32, #tpu.memory_space<vmem>>, vector<16xi32>,
      %get3A_233 = arith.index_cast %mul3A_216 : i32 to index
      %get3A_234 = tpu.vector_load %arg11[%get3A_233] {strides = array<i32>} : memref<400xi32, #tpu.memory_space<vmem>>, vector<16xi32>,
      %swap3A_235 = arith.constant 0 : index
      %swap3A_236 = tpu.vector_load %arg15[%swap3A_235] {strides = array<i32>} : memref<40xi32, #tpu.memory_space<vmem>>, vector<16xi32>,
      tpu.vector_store %arg15[%swap3A_235], %get3A_234 {strides = array<i32>} : memref<40xi32, #tpu.memory_space<vmem>>, vector<16xi32>,
      %add3A_237 = arith.constant 16 : i32
      %add3A_238 = arith.addi %mul3A_216, %add3A_237 : i32
      %get3A_239 = arith.index_cast %add3A_238 : i32 to index
      %get3A_240 = tpu.vector_load %arg11[%get3A_239] {strides = array<i32>} : memref<400xi32, #tpu.memory_space<vmem>>, vector<16xi32>,
      %swap3A_241 = arith.constant 16 : index
      %swap3A_242 = tpu.vector_load %arg15[%swap3A_241] {strides = array<i32>} : memref<40xi32, #tpu.memory_space<vmem>>, vector<16xi32>,
      tpu.vector_store %arg15[%swap3A_241], %get3A_240 {strides = array<i32>} : memref<40xi32, #tpu.memory_space<vmem>>, vector<16xi32>,
      %add3A_243 = arith.constant 24 : i32
      %add3A_244 = arith.addi %mul3A_216, %add3A_243 : i32
      %get3A_245 = arith.index_cast %add3A_244 : i32 to index
      %get3A_246 = tpu.vector_load %arg11[%get3A_245] {strides = array<i32>} : memref<400xi32, #tpu.memory_space<vmem>>, vector<16xi32>,
      %swap3A_247 = arith.constant 24 : index
      %swap3A_248 = tpu.vector_load %arg15[%swap3A_247] {strides = array<i32>} : memref<40xi32, #tpu.memory_space<vmem>>, vector<16xi32>,
      tpu.vector_store %arg15[%swap3A_247], %get3A_246 {strides = array<i32>} : memref<40xi32, #tpu.memory_space<vmem>>, vector<16xi32>,
      %dma_start3A_249 = arith.constant 0 : i32
      %dma_start3A_250 = arith.constant 0 : i32
      %dma_start3A_251 = tpu.memref_slice %arg2[%dma_start3A_249, %dma_start3A_250] : memref<10000x128xf32, #tpu.memory_space<hbm>> -> memref<10000x128xf32, #tpu.memory_space<hbm>>
      tpu.enqueue_indirect_dma source(%dma_start3A_251 : memref<10000x128xf32, #tpu.memory_space<hbm>>) target(%arg19 : memref<40x128xf32, #tpu.memory_space<vmem>>) offsets(%arg14 : memref<40xi32, #tpu.memory_space<vmem>>) semaphore(%arg24 : memref<!tpu.dma_semaphore, #tpu.memory_space<semaphore_mem>>)
      %dma_start3A_252 = arith.constant 0 : i32
      %dma_start3A_253 = arith.constant 0 : i32
      %dma_start3A_254 = tpu.memref_slice %arg3[%dma_start3A_252, %dma_start3A_253] : memref<10000x128xf32, #tpu.memory_space<hbm>> -> memref<10000x128xf32, #tpu.memory_space<hbm>>
      tpu.enqueue_indirect_dma source(%dma_start3A_254 : memref<10000x128xf32, #tpu.memory_space<hbm>>) target(%arg20 : memref<40x128xf32, #tpu.memory_space<vmem>>) offsets(%arg15 : memref<40xi32, #tpu.memory_space<vmem>>) semaphore(%arg24 : memref<!tpu.dma_semaphore, #tpu.memory_space<semaphore_mem>>)
      %dma_start3A_255 = arith.constant 0 : i32
      %dma_start3A_256 = tpu.memref_slice %arg4[%add3A_214, %dma_start3A_255] : memref<320000x64xi32, #tpu.memory_space<hbm>> -> memref<40x64xi32, #tpu.memory_space<hbm>>
      %dma_start3A_257 = arith.constant 0 : i32
      %dma_start3A_258 = tpu.memref_slice %arg4[%add3A_214, %dma_start3A_257] : memref<320000x64xi32, #tpu.memory_space<hbm>> -> memref<40x64xi32, #tpu.memory_space<hbm>>
      tpu.enqueue_dma source(%dma_start3A_258 : memref<40x64xi32, #tpu.memory_space<hbm>>) target(%arg21 : memref<40x64xi32, #tpu.memory_space<vmem>>) target_semaphore(%arg24 : memref<!tpu.dma_semaphore, #tpu.memory_space<semaphore_mem>>)
      %dma_wait3A_259 = arith.constant 0 : i32
      %dma_wait3A_260 = arith.constant 0 : i32
      %dma_wait3A_261 = tpu.memref_slice %arg2[%dma_wait3A_259, %dma_wait3A_260] : memref<10000x128xf32, #tpu.memory_space<hbm>> -> memref<10000x128xf32, #tpu.memory_space<hbm>>
      tpu.wait_indirect_dma semaphore(%arg23 : memref<!tpu.dma_semaphore, #tpu.memory_space<semaphore_mem>>) src(%dma_wait3A_261 : memref<10000x128xf32, #tpu.memory_space<hbm>>) dst(%arg16 : memref<40x128xf32, #tpu.memory_space<vmem>>)
      %dma_wait3A_262 = arith.constant 0 : i32
      %dma_wait3A_263 = arith.constant 0 : i32
      %dma_wait3A_264 = tpu.memref_slice %arg3[%dma_wait3A_262, %dma_wait3A_263] : memref<10000x128xf32, #tpu.memory_space<hbm>> -> memref<10000x128xf32, #tpu.memory_space<hbm>>
      tpu.wait_indirect_dma semaphore(%arg23 : memref<!tpu.dma_semaphore, #tpu.memory_space<semaphore_mem>>) src(%dma_wait3A_264 : memref<10000x128xf32, #tpu.memory_space<hbm>>) dst(%arg17 : memref<40x128xf32, #tpu.memory_space<vmem>>)
      %dma_wait3A_265 = arith.constant 0 : i32
      %dma_wait3A_266 = arith.constant 0 : i32
      %dma_wait3A_267 = tpu.memref_slice %arg4[%dma_wait3A_265, %dma_wait3A_266] : memref<320000x64xi32, #tpu.memory_space<hbm>> -> memref<40x64xi32, #tpu.memory_space<hbm>>
      %dma_wait3A_268 = arith.constant 0 : i32
      %dma_wait3A_269 = arith.constant 0 : i32
      %dma_wait3A_270 = tpu.memref_slice %arg4[%dma_wait3A_268, %dma_wait3A_269] : memref<320000x64xi32, #tpu.memory_space<hbm>> -> memref<40x64xi32, #tpu.memory_space<hbm>>
      tpu.wait_dma2 semaphore(%arg23 : memref<!tpu.dma_semaphore, #tpu.memory_space<semaphore_mem>>) src(%dma_wait3A_270 : memref<40x64xi32, #tpu.memory_space<hbm>>) dst(%arg18 : memref<40x64xi32, #tpu.memory_space<vmem>>)
      %scan3A_271 = arith.constant 0 : i32
      %scan3A_272 = arith.constant 0 : i32
      %scan3A_273 = arith.constant 40 : i32
      %scan3A_274 = arith.addi %scan3A_272, %scan3A_273 : i32
      %scan3A_275 = arith.constant 1 : i32
      %scan3A_276 = scf.for %scan3A_317 = %scan3A_272 to %scan3A_274 step %scan3A_275 iter_args(%scan3A_318 = %scan3A_271) -> (i32)  : i32 {
        %get3A_319 = arith.index_cast %scan3A_317 : i32 to index
        %get3A_320 = arith.constant 0 : index
        %get3A_321 = tpu.vector_load %arg18[%get3A_319, %get3A_320] {strides = array<i32>} : memref<40x64xi32, #tpu.memory_space<vmem>>, vector<16xi32>,
        %shift_left3A = arith.shli %get3A_321, %broadcast_in_dim3A_84 : vector<16xi32>
        %bitcast3A = vector.bitcast %shift_left3A : vector<16xi32> to vector<16xf32>
        %and3A_322 = arith.andi %get3A_321, %broadcast_in_dim3A_86 : vector<16xi32>
        %bitcast3A_323 = vector.bitcast %and3A_322 : vector<16xi32> to vector<16xf32>
        %get3A_324 = arith.index_cast %scan3A_317 : i32 to index
        %get3A_325 = arith.constant 0 : index
        %get3A_326 = tpu.vector_load %arg16[%get3A_324, %get3A_325] {strides = array<i32>} : memref<40x128xf32, #tpu.memory_space<vmem>>, vector<16xf32>,
        %get3A_327 = arith.index_cast %scan3A_317 : i32 to index
        %get3A_328 = arith.constant 0 : index
        %get3A_329 = tpu.vector_load %arg17[%get3A_327, %get3A_328] {strides = array<i32>} : memref<40x128xf32, #tpu.memory_space<vmem>>, vector<16xf32>,
        %add3A_330 = arith.addf %get3A_326, %get3A_329 : vector<16xf32>
        %add3A_331 = arith.addf %add3A_330, %bitcast3A : vector<16xf32>
        %get3A_332 = arith.index_cast %scan3A_317 : i32 to index
        %get3A_333 = arith.constant 64 : index
        %get3A_334 = tpu.vector_load %arg16[%get3A_332, %get3A_333] {strides = array<i32>} : memref<40x128xf32, #tpu.memory_space<vmem>>, vector<16xf32>,
        %get3A_335 = arith.index_cast %scan3A_317 : i32 to index
        %get3A_336 = arith.constant 64 : index
        %get3A_337 = tpu.vector_load %arg17[%get3A_335, %get3A_336] {strides = array<i32>} : memref<40x128xf32, #tpu.memory_space<vmem>>, vector<16xf32>,
        %add3A_338 = arith.addf %get3A_334, %get3A_337 : vector<16xf32>
        %add3A_339 = arith.addf %add3A_338, %bitcast3A_323 : vector<16xf32>
        %max3A = arith.constant 0.000000e+00 : f32
        %max3A_340 = vector.broadcast %max3A : f32 to vector<16xf32>
        %max3A_341 = arith.maximumf %add3A_331, %max3A_340 : vector<16xf32>
        %swap3A_342 = arith.index_cast %scan3A_317 : i32 to index
        %swap3A_343 = arith.constant 0 : index
        %swap3A_344 = tpu.vector_load %arg16[%swap3A_342, %swap3A_343] {strides = array<i32>} : memref<40x128xf32, #tpu.memory_space<vmem>>, vector<16xf32>,
        tpu.vector_store %arg16[%swap3A_342, %swap3A_343], %max3A_341 {strides = array<i32>} : memref<40x128xf32, #tpu.memory_space<vmem>>, vector<16xf32>,
        %max3A_345 = arith.constant 0.000000e+00 : f32
        %max3A_346 = vector.broadcast %max3A_345 : f32 to vector<16xf32>
        %max3A_347 = arith.maximumf %add3A_339, %max3A_346 : vector<16xf32>
        %swap3A_348 = arith.index_cast %scan3A_317 : i32 to index
        %swap3A_349 = arith.constant 64 : index
        %swap3A_350 = tpu.vector_load %arg16[%swap3A_348, %swap3A_349] {strides = array<i32>} : memref<40x128xf32, #tpu.memory_space<vmem>>, vector<16xf32>,
        tpu.vector_store %arg16[%swap3A_348, %swap3A_349], %max3A_347 {strides = array<i32>} : memref<40x128xf32, #tpu.memory_space<vmem>>, vector<16xf32>,
        %get3A_351 = arith.index_cast %scan3A_317 : i32 to index
        %get3A_352 = arith.constant 16 : index
        %get3A_353 = tpu.vector_load %arg18[%get3A_351, %get3A_352] {strides = array<i32>} : memref<40x64xi32, #tpu.memory_space<vmem>>, vector<16xi32>,
        %shift_left3A_354 = arith.shli %get3A_353, %broadcast_in_dim3A_84 : vector<16xi32>
        %bitcast3A_355 = vector.bitcast %shift_left3A_354 : vector<16xi32> to vector<16xf32>
        %and3A_356 = arith.andi %get3A_353, %broadcast_in_dim3A_86 : vector<16xi32>
        %bitcast3A_357 = vector.bitcast %and3A_356 : vector<16xi32> to vector<16xf32>
        %get3A_358 = arith.index_cast %scan3A_317 : i32 to index
        %get3A_359 = arith.constant 16 : index
        %get3A_360 = tpu.vector_load %arg16[%get3A_358, %get3A_359] {strides = array<i32>} : memref<40x128xf32, #tpu.memory_space<vmem>>, vector<16xf32>,
        %get3A_361 = arith.index_cast %scan3A_317 : i32 to index
        %get3A_362 = arith.constant 16 : index
        %get3A_363 = tpu.vector_load %arg17[%get3A_361, %get3A_362] {strides = array<i32>} : memref<40x128xf32, #tpu.memory_space<vmem>>, vector<16xf32>,
        %add3A_364 = arith.addf %get3A_360, %get3A_363 : vector<16xf32>
        %add3A_365 = arith.addf %add3A_364, %bitcast3A_355 : vector<16xf32>
        %get3A_366 = arith.index_cast %scan3A_317 : i32 to index
        %get3A_367 = arith.constant 80 : index
        %get3A_368 = tpu.vector_load %arg16[%get3A_366, %get3A_367] {strides = array<i32>} : memref<40x128xf32, #tpu.memory_space<vmem>>, vector<16xf32>,
        %get3A_369 = arith.index_cast %scan3A_317 : i32 to index
        %get3A_370 = arith.constant 80 : index
        %get3A_371 = tpu.vector_load %arg17[%get3A_369, %get3A_370] {strides = array<i32>} : memref<40x128xf32, #tpu.memory_space<vmem>>, vector<16xf32>,
        %add3A_372 = arith.addf %get3A_368, %get3A_371 : vector<16xf32>
        %add3A_373 = arith.addf %add3A_372, %bitcast3A_357 : vector<16xf32>
        %max3A_374 = arith.constant 0.000000e+00 : f32
        %max3A_375 = vector.broadcast %max3A_374 : f32 to vector<16xf32>
        %max3A_376 = arith.maximumf %add3A_365, %max3A_375 : vector<16xf32>
        %swap3A_377 = arith.index_cast %scan3A_317 : i32 to index
        %swap3A_378 = arith.constant 16 : index
        %swap3A_379 = tpu.vector_load %arg16[%swap3A_377, %swap3A_378] {strides = array<i32>} : memref<40x128xf32, #tpu.memory_space<vmem>>, vector<16xf32>,
        tpu.vector_store %arg16[%swap3A_377, %swap3A_378], %max3A_376 {strides = array<i32>} : memref<40x128xf32, #tpu.memory_space<vmem>>, vector<16xf32>,
        %max3A_380 = arith.constant 0.000000e+00 : f32
        %max3A_381 = vector.broadcast %max3A_380 : f32 to vector<16xf32>
        %max3A_382 = arith.maximumf %add3A_373, %max3A_381 : vector<16xf32>
        %swap3A_383 = arith.index_cast %scan3A_317 : i32 to index
        %swap3A_384 = arith.constant 80 : index
        %swap3A_385 = tpu.vector_load %arg16[%swap3A_383, %swap3A_384] {strides = array<i32>} : memref<40x128xf32, #tpu.memory_space<vmem>>, vector<16xf32>,
        tpu.vector_store %arg16[%swap3A_383, %swap3A_384], %max3A_382 {strides = array<i32>} : memref<40x128xf32, #tpu.memory_space<vmem>>, vector<16xf32>,
        %get3A_386 = arith.index_cast %scan3A_317 : i32 to index
        %get3A_387 = arith.constant 32 : index
        %get3A_388 = tpu.vector_load %arg18[%get3A_386, %get3A_387] {strides = array<i32>} : memref<40x64xi32, #tpu.memory_space<vmem>>, vector<16xi32>,
        %shift_left3A_389 = arith.shli %get3A_388, %broadcast_in_dim3A_84 : vector<16xi32>
        %bitcast3A_390 = vector.bitcast %shift_left3A_389 : vector<16xi32> to vector<16xf32>
        %and3A_391 = arith.andi %get3A_388, %broadcast_in_dim3A_86 : vector<16xi32>
        %bitcast3A_392 = vector.bitcast %and3A_391 : vector<16xi32> to vector<16xf32>
        %get3A_393 = arith.index_cast %scan3A_317 : i32 to index
        %get3A_394 = arith.constant 32 : index
        %get3A_395 = tpu.vector_load %arg16[%get3A_393, %get3A_394] {strides = array<i32>} : memref<40x128xf32, #tpu.memory_space<vmem>>, vector<16xf32>,
        %get3A_396 = arith.index_cast %scan3A_317 : i32 to index
        %get3A_397 = arith.constant 32 : index
        %get3A_398 = tpu.vector_load %arg17[%get3A_396, %get3A_397] {strides = array<i32>} : memref<40x128xf32, #tpu.memory_space<vmem>>, vector<16xf32>,
        %add3A_399 = arith.addf %get3A_395, %get3A_398 : vector<16xf32>
        %add3A_400 = arith.addf %add3A_399, %bitcast3A_390 : vector<16xf32>
        %get3A_401 = arith.index_cast %scan3A_317 : i32 to index
        %get3A_402 = arith.constant 96 : index
        %get3A_403 = tpu.vector_load %arg16[%get3A_401, %get3A_402] {strides = array<i32>} : memref<40x128xf32, #tpu.memory_space<vmem>>, vector<16xf32>,
        %get3A_404 = arith.index_cast %scan3A_317 : i32 to index
        %get3A_405 = arith.constant 96 : index
        %get3A_406 = tpu.vector_load %arg17[%get3A_404, %get3A_405] {strides = array<i32>} : memref<40x128xf32, #tpu.memory_space<vmem>>, vector<16xf32>,
        %add3A_407 = arith.addf %get3A_403, %get3A_406 : vector<16xf32>
        %add3A_408 = arith.addf %add3A_407, %bitcast3A_392 : vector<16xf32>
        %max3A_409 = arith.constant 0.000000e+00 : f32
        %max3A_410 = vector.broadcast %max3A_409 : f32 to vector<16xf32>
        %max3A_411 = arith.maximumf %add3A_400, %max3A_410 : vector<16xf32>
        %swap3A_412 = arith.index_cast %scan3A_317 : i32 to index
        %swap3A_413 = arith.constant 32 : index
        %swap3A_414 = tpu.vector_load %arg16[%swap3A_412, %swap3A_413] {strides = array<i32>} : memref<40x128xf32, #tpu.memory_space<vmem>>, vector<16xf32>,
        tpu.vector_store %arg16[%swap3A_412, %swap3A_413], %max3A_411 {strides = array<i32>} : memref<40x128xf32, #tpu.memory_space<vmem>>, vector<16xf32>,
        %max3A_415 = arith.constant 0.000000e+00 : f32
        %max3A_416 = vector.broadcast %max3A_415 : f32 to vector<16xf32>
        %max3A_417 = arith.maximumf %add3A_408, %max3A_416 : vector<16xf32>
        %swap3A_418 = arith.index_cast %scan3A_317 : i32 to index
        %swap3A_419 = arith.constant 96 : index
        %swap3A_420 = tpu.vector_load %arg16[%swap3A_418, %swap3A_419] {strides = array<i32>} : memref<40x128xf32, #tpu.memory_space<vmem>>, vector<16xf32>,
        tpu.vector_store %arg16[%swap3A_418, %swap3A_419], %max3A_417 {strides = array<i32>} : memref<40x128xf32, #tpu.memory_space<vmem>>, vector<16xf32>,
        %get3A_421 = arith.index_cast %scan3A_317 : i32 to index
        %get3A_422 = arith.constant 48 : index
        %get3A_423 = tpu.vector_load %arg18[%get3A_421, %get3A_422] {strides = array<i32>} : memref<40x64xi32, #tpu.memory_space<vmem>>, vector<16xi32>,
        %shift_left3A_424 = arith.shli %get3A_423, %broadcast_in_dim3A_84 : vector<16xi32>
        %bitcast3A_425 = vector.bitcast %shift_left3A_424 : vector<16xi32> to vector<16xf32>
        %and3A_426 = arith.andi %get3A_423, %broadcast_in_dim3A_86 : vector<16xi32>
        %bitcast3A_427 = vector.bitcast %and3A_426 : vector<16xi32> to vector<16xf32>
        %get3A_428 = arith.index_cast %scan3A_317 : i32 to index
        %get3A_429 = arith.constant 48 : index
        %get3A_430 = tpu.vector_load %arg16[%get3A_428, %get3A_429] {strides = array<i32>} : memref<40x128xf32, #tpu.memory_space<vmem>>, vector<16xf32>,
        %get3A_431 = arith.index_cast %scan3A_317 : i32 to index
        %get3A_432 = arith.constant 48 : index
        %get3A_433 = tpu.vector_load %arg17[%get3A_431, %get3A_432] {strides = array<i32>} : memref<40x128xf32, #tpu.memory_space<vmem>>, vector<16xf32>,
        %add3A_434 = arith.addf %get3A_430, %get3A_433 : vector<16xf32>
        %add3A_435 = arith.addf %add3A_434, %bitcast3A_425 : vector<16xf32>
        %get3A_436 = arith.index_cast %scan3A_317 : i32 to index
        %get3A_437 = arith.constant 112 : index
        %get3A_438 = tpu.vector_load %arg16[%get3A_436, %get3A_437] {strides = array<i32>} : memref<40x128xf32, #tpu.memory_space<vmem>>, vector<16xf32>,
        %get3A_439 = arith.index_cast %scan3A_317 : i32 to index
        %get3A_440 = arith.constant 112 : index
        %get3A_441 = tpu.vector_load %arg17[%get3A_439, %get3A_440] {strides = array<i32>} : memref<40x128xf32, #tpu.memory_space<vmem>>, vector<16xf32>,
        %add3A_442 = arith.addf %get3A_438, %get3A_441 : vector<16xf32>
        %add3A_443 = arith.addf %add3A_442, %bitcast3A_427 : vector<16xf32>
        %max3A_444 = arith.constant 0.000000e+00 : f32
        %max3A_445 = vector.broadcast %max3A_444 : f32 to vector<16xf32>
        %max3A_446 = arith.maximumf %add3A_435, %max3A_445 : vector<16xf32>
        %swap3A_447 = arith.index_cast %scan3A_317 : i32 to index
        %swap3A_448 = arith.constant 48 : index
        %swap3A_449 = tpu.vector_load %arg16[%swap3A_447, %swap3A_448] {strides = array<i32>} : memref<40x128xf32, #tpu.memory_space<vmem>>, vector<16xf32>,
        tpu.vector_store %arg16[%swap3A_447, %swap3A_448], %max3A_446 {strides = array<i32>} : memref<40x128xf32, #tpu.memory_space<vmem>>, vector<16xf32>,
        %max3A_450 = arith.constant 0.000000e+00 : f32
        %max3A_451 = vector.broadcast %max3A_450 : f32 to vector<16xf32>
        %max3A_452 = arith.maximumf %add3A_443, %max3A_451 : vector<16xf32>
        %swap3A_453 = arith.index_cast %scan3A_317 : i32 to index
        %swap3A_454 = arith.constant 112 : index
        %swap3A_455 = tpu.vector_load %arg16[%swap3A_453, %swap3A_454] {strides = array<i32>} : memref<40x128xf32, #tpu.memory_space<vmem>>, vector<16xf32>,
        tpu.vector_store %arg16[%swap3A_453, %swap3A_454], %max3A_452 {strides = array<i32>} : memref<40x128xf32, #tpu.memory_space<vmem>>, vector<16xf32>,
        %scan3A_456 = arith.constant 0 : i32
        scf.yield %scan3A_456 : i32
      }
      %scan3A_277 = arith.constant 40 : i32
      %dma_start3A_278 = arith.constant 0 : i32
      %dma_start3A_279 = arith.constant 0 : i32
      %dma_start3A_280 = tpu.memref_slice %arg9[%dma_start3A_278, %dma_start3A_279] : memref<10240x128xf32, #tpu.memory_space<vmem_shared>> -> memref<10240x128xf32, #tpu.memory_space<vmem_shared>>
      tpu.enqueue_indirect_dma source(%arg16 : memref<40x128xf32, #tpu.memory_space<vmem>>) target(%dma_start3A_280 : memref<10240x128xf32, #tpu.memory_space<vmem_shared>>) offsets(%arg12 : memref<40xi32, #tpu.memory_space<vmem>>) semaphore(%arg25 : memref<!tpu.dma_semaphore, #tpu.memory_space<semaphore_mem>>) {add = true}
      %eq3A_281 = arith.constant 4 : i32
      %eq3A_282 = arith.cmpi eq, %select_n3A_203, %eq3A_281 : i32
      %lt3A_283 = arith.constant 124 : i32
      %lt3A_284 = arith.cmpi slt, %scan3A_193, %lt3A_283 : i32
      %and3A_285 = arith.andi %eq3A_282, %lt3A_284 : i1
      %convert_element_type3A_286 = arith.extui %and3A_285 : i1 to i32
      %cond3A_287 = arith.constant 0 : i32
      %cond3A_288 = arith.cmpi ne, %convert_element_type3A_286, %cond3A_287 : i32
      scf.if %cond3A_288 {
        %jit3A_317 = arith.constant 5 : i32
        %div3A = arith.divsi %scan3A_193, %jit3A_317 : i32
        %sign3A = arith.constant 0 : i32
        %sign3A_318 = arith.cmpi sgt, %scan3A_193, %sign3A : i32
        %sign3A_319 = arith.extui %sign3A_318 : i1 to i32
        %sign3A_320 = arith.constant 0 : i32
        %sign3A_321 = arith.cmpi slt, %scan3A_193, %sign3A_320 : i32
        %sign3A_322 = arith.extui %sign3A_321 : i1 to i32
        %sign3A_323 = arith.subi %sign3A_319, %sign3A_322 : i32
        %sign3A_324 = arith.constant 0 : i32
        %sign3A_325 = arith.cmpi sgt, %jit3A_317, %sign3A_324 : i32
        %sign3A_326 = arith.extui %sign3A_325 : i1 to i32
        %sign3A_327 = arith.constant 0 : i32
        %sign3A_328 = arith.cmpi slt, %jit3A_317, %sign3A_327 : i32
        %sign3A_329 = arith.extui %sign3A_328 : i1 to i32
        %sign3A_330 = arith.subi %sign3A_326, %sign3A_329 : i32
        %ne3A_331 = arith.cmpi ne, %sign3A_323, %sign3A_330 : i32
        %rem3A_332 = arith.remsi %scan3A_193, %jit3A_317 : i32
        %ne3A_333 = arith.constant 0 : i32
        %ne3A_334 = arith.cmpi ne, %rem3A_332, %ne3A_333 : i32
        %and3A_335 = arith.andi %ne3A_331, %ne3A_334 : i1
        %sub3A = arith.constant 1 : i32
        %sub3A_336 = arith.subi %div3A, %sub3A : i32
        %select_n3A_337 = arith.select %and3A_335, %sub3A_336, %div3A : i32
        %add3A_338 = arith.constant 1 : i32
        %add3A_339 = arith.addi %select_n3A_337, %add3A_338 : i32
        %mul3A_340 = arith.constant 400 : i32
        %mul3A_341 = arith.muli %add3A_339, %mul3A_340 : i32
        %add3A_342 = arith.addi %mul3A_2, %mul3A_341 : i32
        "tpu.region"() ({
          %run_scoped3A = tpu.sem_alloc : memref<!tpu.dma_semaphore, #tpu.memory_space<semaphore_mem>>
          %dma_start3A_393 = tpu.memref_slice %arg6[%add3A_342] : memref<320000xi32, #tpu.memory_space<hbm>> -> memref<400xi32, #tpu.memory_space<hbm>>
          %dma_start3A_394 = tpu.memref_slice %arg6[%add3A_342] : memref<320000xi32, #tpu.memory_space<hbm>> -> memref<400xi32, #tpu.memory_space<hbm>>
          tpu.enqueue_dma source(%dma_start3A_394 : memref<400xi32, #tpu.memory_space<hbm>>) target(%arg10 : memref<400xi32, #tpu.memory_space<vmem>>) target_semaphore(%run_scoped3A : memref<!tpu.dma_semaphore, #tpu.memory_space<semaphore_mem>>)
          %dma_wait3A_395 = tpu.memref_slice %arg6[%add3A_342] : memref<320000xi32, #tpu.memory_space<hbm>> -> memref<400xi32, #tpu.memory_space<hbm>>
          %dma_wait3A_396 = tpu.memref_slice %arg6[%add3A_342] : memref<320000xi32, #tpu.memory_space<hbm>> -> memref<400xi32, #tpu.memory_space<hbm>>
          tpu.wait_dma2 semaphore(%run_scoped3A : memref<!tpu.dma_semaphore, #tpu.memory_space<semaphore_mem>>) src(%dma_wait3A_396 : memref<400xi32, #tpu.memory_space<hbm>>) dst(%arg10 : memref<400xi32, #tpu.memory_space<vmem>>)
          tpu.yield
        }) : () -> ()
        "tpu.region"() ({
          %run_scoped3A = tpu.sem_alloc : memref<!tpu.dma_semaphore, #tpu.memory_space<semaphore_mem>>
          %dma_start3A_393 = tpu.memref_slice %arg5[%add3A_342] : memref<320000xi32, #tpu.memory_space<hbm>> -> memref<400xi32, #tpu.memory_space<hbm>>
          %dma_start3A_394 = tpu.memref_slice %arg5[%add3A_342] : memref<320000xi32, #tpu.memory_space<hbm>> -> memref<400xi32, #tpu.memory_space<hbm>>
          tpu.enqueue_dma source(%dma_start3A_394 : memref<400xi32, #tpu.memory_space<hbm>>) target(%arg11 : memref<400xi32, #tpu.memory_space<vmem>>) target_semaphore(%run_scoped3A : memref<!tpu.dma_semaphore, #tpu.memory_space<semaphore_mem>>)
          %dma_wait3A_395 = tpu.memref_slice %arg5[%add3A_342] : memref<320000xi32, #tpu.memory_space<hbm>> -> memref<400xi32, #tpu.memory_space<hbm>>
          %dma_wait3A_396 = tpu.memref_slice %arg5[%add3A_342] : memref<320000xi32, #tpu.memory_space<hbm>> -> memref<400xi32, #tpu.memory_space<hbm>>
          tpu.wait_dma2 semaphore(%run_scoped3A : memref<!tpu.dma_semaphore, #tpu.memory_space<semaphore_mem>>) src(%dma_wait3A_396 : memref<400xi32, #tpu.memory_space<hbm>>) dst(%arg11 : memref<400xi32, #tpu.memory_space<vmem>>)
          tpu.yield
        }) : () -> ()
        %get3A_343 = arith.constant 0 : index
        %get3A_344 = tpu.vector_load %arg10[%get3A_343] {strides = array<i32>} : memref<400xi32, #tpu.memory_space<vmem>>, vector<16xi32>,
        tpu.vector_store_idx %arg22[%get3A_344], %broadcast_in_dim3A_5 {add = true} : memref<10240xf32, #tpu.memory_space<vmem>>[vector<16xi32>], vector<16xf32>,
        %get3A_345 = arith.constant 16 : index
        %get3A_346 = tpu.vector_load %arg10[%get3A_345] {strides = array<i32>} : memref<400xi32, #tpu.memory_space<vmem>>, vector<16xi32>,
        tpu.vector_store_idx %arg22[%get3A_346], %broadcast_in_dim3A_5 {add = true} : memref<10240xf32, #tpu.memory_space<vmem>>[vector<16xi32>], vector<16xf32>,
        %get3A_347 = arith.constant 32 : index
        %get3A_348 = tpu.vector_load %arg10[%get3A_347] {strides = array<i32>} : memref<400xi32, #tpu.memory_space<vmem>>, vector<16xi32>,
        tpu.vector_store_idx %arg22[%get3A_348], %broadcast_in_dim3A_5 {add = true} : memref<10240xf32, #tpu.memory_space<vmem>>[vector<16xi32>], vector<16xf32>,
        %get3A_349 = arith.constant 48 : index
        %get3A_350 = tpu.vector_load %arg10[%get3A_349] {strides = array<i32>} : memref<400xi32, #tpu.memory_space<vmem>>, vector<16xi32>,
        tpu.vector_store_idx %arg22[%get3A_350], %broadcast_in_dim3A_5 {add = true} : memref<10240xf32, #tpu.memory_space<vmem>>[vector<16xi32>], vector<16xf32>,
        %get3A_351 = arith.constant 64 : index
        %get3A_352 = tpu.vector_load %arg10[%get3A_351] {strides = array<i32>} : memref<400xi32, #tpu.memory_space<vmem>>, vector<16xi32>,
        tpu.vector_store_idx %arg22[%get3A_352], %broadcast_in_dim3A_5 {add = true} : memref<10240xf32, #tpu.memory_space<vmem>>[vector<16xi32>], vector<16xf32>,
        %get3A_353 = arith.constant 80 : index
        %get3A_354 = tpu.vector_load %arg10[%get3A_353] {strides = array<i32>} : memref<400xi32, #tpu.memory_space<vmem>>, vector<16xi32>,
        tpu.vector_store_idx %arg22[%get3A_354], %broadcast_in_dim3A_5 {add = true} : memref<10240xf32, #tpu.memory_space<vmem>>[vector<16xi32>], vector<16xf32>,
        %get3A_355 = arith.constant 96 : index
        %get3A_356 = tpu.vector_load %arg10[%get3A_355] {strides = array<i32>} : memref<400xi32, #tpu.memory_space<vmem>>, vector<16xi32>,
        tpu.vector_store_idx %arg22[%get3A_356], %broadcast_in_dim3A_5 {add = true} : memref<10240xf32, #tpu.memory_space<vmem>>[vector<16xi32>], vector<16xf32>,
        %get3A_357 = arith.constant 112 : index
        %get3A_358 = tpu.vector_load %arg10[%get3A_357] {strides = array<i32>} : memref<400xi32, #tpu.memory_space<vmem>>, vector<16xi32>,
        tpu.vector_store_idx %arg22[%get3A_358], %broadcast_in_dim3A_5 {add = true} : memref<10240xf32, #tpu.memory_space<vmem>>[vector<16xi32>], vector<16xf32>,
        %get3A_359 = arith.constant 128 : index
        %get3A_360 = tpu.vector_load %arg10[%get3A_359] {strides = array<i32>} : memref<400xi32, #tpu.memory_space<vmem>>, vector<16xi32>,
        tpu.vector_store_idx %arg22[%get3A_360], %broadcast_in_dim3A_5 {add = true} : memref<10240xf32, #tpu.memory_space<vmem>>[vector<16xi32>], vector<16xf32>,
        %get3A_361 = arith.constant 144 : index
        %get3A_362 = tpu.vector_load %arg10[%get3A_361] {strides = array<i32>} : memref<400xi32, #tpu.memory_space<vmem>>, vector<16xi32>,
        tpu.vector_store_idx %arg22[%get3A_362], %broadcast_in_dim3A_5 {add = true} : memref<10240xf32, #tpu.memory_space<vmem>>[vector<16xi32>], vector<16xf32>,
        %get3A_363 = arith.constant 160 : index
        %get3A_364 = tpu.vector_load %arg10[%get3A_363] {strides = array<i32>} : memref<400xi32, #tpu.memory_space<vmem>>, vector<16xi32>,
        tpu.vector_store_idx %arg22[%get3A_364], %broadcast_in_dim3A_5 {add = true} : memref<10240xf32, #tpu.memory_space<vmem>>[vector<16xi32>], vector<16xf32>,
        %get3A_365 = arith.constant 176 : index
        %get3A_366 = tpu.vector_load %arg10[%get3A_365] {strides = array<i32>} : memref<400xi32, #tpu.memory_space<vmem>>, vector<16xi32>,
        tpu.vector_store_idx %arg22[%get3A_366], %broadcast_in_dim3A_5 {add = true} : memref<10240xf32, #tpu.memory_space<vmem>>[vector<16xi32>], vector<16xf32>,
        %get3A_367 = arith.constant 192 : index
        %get3A_368 = tpu.vector_load %arg10[%get3A_367] {strides = array<i32>} : memref<400xi32, #tpu.memory_space<vmem>>, vector<16xi32>,
        tpu.vector_store_idx %arg22[%get3A_368], %broadcast_in_dim3A_5 {add = true} : memref<10240xf32, #tpu.memory_space<vmem>>[vector<16xi32>], vector<16xf32>,
        %get3A_369 = arith.constant 208 : index
        %get3A_370 = tpu.vector_load %arg10[%get3A_369] {strides = array<i32>} : memref<400xi32, #tpu.memory_space<vmem>>, vector<16xi32>,
        tpu.vector_store_idx %arg22[%get3A_370], %broadcast_in_dim3A_5 {add = true} : memref<10240xf32, #tpu.memory_space<vmem>>[vector<16xi32>], vector<16xf32>,
        %get3A_371 = arith.constant 224 : index
        %get3A_372 = tpu.vector_load %arg10[%get3A_371] {strides = array<i32>} : memref<400xi32, #tpu.memory_space<vmem>>, vector<16xi32>,
        tpu.vector_store_idx %arg22[%get3A_372], %broadcast_in_dim3A_5 {add = true} : memref<10240xf32, #tpu.memory_space<vmem>>[vector<16xi32>], vector<16xf32>,
        %get3A_373 = arith.constant 240 : index
        %get3A_374 = tpu.vector_load %arg10[%get3A_373] {strides = array<i32>} : memref<400xi32, #tpu.memory_space<vmem>>, vector<16xi32>,
        tpu.vector_store_idx %arg22[%get3A_374], %broadcast_in_dim3A_5 {add = true} : memref<10240xf32, #tpu.memory_space<vmem>>[vector<16xi32>], vector<16xf32>,
        %get3A_375 = arith.constant 256 : index
        %get3A_376 = tpu.vector_load %arg10[%get3A_375] {strides = array<i32>} : memref<400xi32, #tpu.memory_space<vmem>>, vector<16xi32>,
        tpu.vector_store_idx %arg22[%get3A_376], %broadcast_in_dim3A_5 {add = true} : memref<10240xf32, #tpu.memory_space<vmem>>[vector<16xi32>], vector<16xf32>,
        %get3A_377 = arith.constant 272 : index
        %get3A_378 = tpu.vector_load %arg10[%get3A_377] {strides = array<i32>} : memref<400xi32, #tpu.memory_space<vmem>>, vector<16xi32>,
        tpu.vector_store_idx %arg22[%get3A_378], %broadcast_in_dim3A_5 {add = true} : memref<10240xf32, #tpu.memory_space<vmem>>[vector<16xi32>], vector<16xf32>,
        %get3A_379 = arith.constant 288 : index
        %get3A_380 = tpu.vector_load %arg10[%get3A_379] {strides = array<i32>} : memref<400xi32, #tpu.memory_space<vmem>>, vector<16xi32>,
        tpu.vector_store_idx %arg22[%get3A_380], %broadcast_in_dim3A_5 {add = true} : memref<10240xf32, #tpu.memory_space<vmem>>[vector<16xi32>], vector<16xf32>,
        %get3A_381 = arith.constant 304 : index
        %get3A_382 = tpu.vector_load %arg10[%get3A_381] {strides = array<i32>} : memref<400xi32, #tpu.memory_space<vmem>>, vector<16xi32>,
        tpu.vector_store_idx %arg22[%get3A_382], %broadcast_in_dim3A_5 {add = true} : memref<10240xf32, #tpu.memory_space<vmem>>[vector<16xi32>], vector<16xf32>,
        %get3A_383 = arith.constant 320 : index
        %get3A_384 = tpu.vector_load %arg10[%get3A_383] {strides = array<i32>} : memref<400xi32, #tpu.memory_space<vmem>>, vector<16xi32>,
        tpu.vector_store_idx %arg22[%get3A_384], %broadcast_in_dim3A_5 {add = true} : memref<10240xf32, #tpu.memory_space<vmem>>[vector<16xi32>], vector<16xf32>,
        %get3A_385 = arith.constant 336 : index
        %get3A_386 = tpu.vector_load %arg10[%get3A_385] {strides = array<i32>} : memref<400xi32, #tpu.memory_space<vmem>>, vector<16xi32>,
        tpu.vector_store_idx %arg22[%get3A_386], %broadcast_in_dim3A_5 {add = true} : memref<10240xf32, #tpu.memory_space<vmem>>[vector<16xi32>], vector<16xf32>,
        %get3A_387 = arith.constant 352 : index
        %get3A_388 = tpu.vector_load %arg10[%get3A_387] {strides = array<i32>} : memref<400xi32, #tpu.memory_space<vmem>>, vector<16xi32>,
        tpu.vector_store_idx %arg22[%get3A_388], %broadcast_in_dim3A_5 {add = true} : memref<10240xf32, #tpu.memory_space<vmem>>[vector<16xi32>], vector<16xf32>,
        %get3A_389 = arith.constant 368 : index
        %get3A_390 = tpu.vector_load %arg10[%get3A_389] {strides = array<i32>} : memref<400xi32, #tpu.memory_space<vmem>>, vector<16xi32>,
        tpu.vector_store_idx %arg22[%get3A_390], %broadcast_in_dim3A_5 {add = true} : memref<10240xf32, #tpu.memory_space<vmem>>[vector<16xi32>], vector<16xf32>,
        %get3A_391 = arith.constant 384 : index
        %get3A_392 = tpu.vector_load %arg10[%get3A_391] {strides = array<i32>} : memref<400xi32, #tpu.memory_space<vmem>>, vector<16xi32>,
        tpu.vector_store_idx %arg22[%get3A_392], %broadcast_in_dim3A_5 {add = true} : memref<10240xf32, #tpu.memory_space<vmem>>[vector<16xi32>], vector<16xf32>,
      } else {
      }
      %lt3A_289 = arith.constant 124 : i32
      %lt3A_290 = arith.cmpi slt, %scan3A_193, %lt3A_289 : i32
      %convert_element_type3A_291 = arith.extui %lt3A_290 : i1 to i32
      %cond3A_292 = arith.constant 0 : i32
      %cond3A_293 = arith.cmpi ne, %convert_element_type3A_291, %cond3A_292 : i32
      scf.if %cond3A_293 {
        %dma_wait3A_317 = arith.constant 0 : i32
        %dma_wait3A_318 = arith.constant 0 : i32
        %dma_wait3A_319 = tpu.memref_slice %arg9[%dma_wait3A_317, %dma_wait3A_318] : memref<10240x128xf32, #tpu.memory_space<vmem_shared>> -> memref<40x128xf32, #tpu.memory_space<vmem_shared>>
        %dma_wait3A_320 = arith.constant 0 : i32
        %dma_wait3A_321 = arith.constant 0 : i32
        %dma_wait3A_322 = tpu.memref_slice %arg9[%dma_wait3A_320, %dma_wait3A_321] : memref<10240x128xf32, #tpu.memory_space<vmem_shared>> -> memref<40x128xf32, #tpu.memory_space<vmem_shared>>
        tpu.wait_dma2 semaphore(%arg25 : memref<!tpu.dma_semaphore, #tpu.memory_space<semaphore_mem>>) src(%arg16 : memref<40x128xf32, #tpu.memory_space<vmem>>) dst(%dma_wait3A_322 : memref<40x128xf32, #tpu.memory_space<vmem_shared>>)
        %eq3A_323 = arith.constant 4 : i32
        %eq3A_324 = arith.cmpi eq, %select_n3A_203, %eq3A_323 : i32
        %mul3A_325 = arith.constant 2 : i32
        %mul3A_326 = arith.muli %mul3A_325, %select_n3A_203 : i32
        %add3A_327 = arith.constant 2 : i32
        %add3A_328 = arith.addi %mul3A_326, %add3A_327 : i32
        %jit3A_329 = arith.constant 0 : i32
        %select_n3A_330 = arith.select %eq3A_324, %jit3A_329, %add3A_328 : i32
        %add3A_331 = arith.constant 80 : i32
        %add3A_332 = arith.addi %add3A_206, %add3A_331 : i32
        %mul3A_333 = arith.constant 40 : i32
        %mul3A_334 = arith.muli %select_n3A_330, %mul3A_333 : i32
        %get3A_335 = arith.index_cast %mul3A_334 : i32 to index
        %get3A_336 = tpu.vector_load %arg10[%get3A_335] {strides = array<i32>} : memref<400xi32, #tpu.memory_space<vmem>>, vector<16xi32>,
        %swap3A_337 = arith.constant 0 : index
        %swap3A_338 = tpu.vector_load %arg12[%swap3A_337] {strides = array<i32>} : memref<40xi32, #tpu.memory_space<vmem>>, vector<16xi32>,
        tpu.vector_store %arg12[%swap3A_337], %get3A_336 {strides = array<i32>} : memref<40xi32, #tpu.memory_space<vmem>>, vector<16xi32>,
        %add3A_339 = arith.constant 16 : i32
        %add3A_340 = arith.addi %mul3A_334, %add3A_339 : i32
        %get3A_341 = arith.index_cast %add3A_340 : i32 to index
        %get3A_342 = tpu.vector_load %arg10[%get3A_341] {strides = array<i32>} : memref<400xi32, #tpu.memory_space<vmem>>, vector<16xi32>,
        %swap3A_343 = arith.constant 16 : index
        %swap3A_344 = tpu.vector_load %arg12[%swap3A_343] {strides = array<i32>} : memref<40xi32, #tpu.memory_space<vmem>>, vector<16xi32>,
        tpu.vector_store %arg12[%swap3A_343], %get3A_342 {strides = array<i32>} : memref<40xi32, #tpu.memory_space<vmem>>, vector<16xi32>,
        %add3A_345 = arith.constant 24 : i32
        %add3A_346 = arith.addi %mul3A_334, %add3A_345 : i32
        %get3A_347 = arith.index_cast %add3A_346 : i32 to index
        %get3A_348 = tpu.vector_load %arg10[%get3A_347] {strides = array<i32>} : memref<400xi32, #tpu.memory_space<vmem>>, vector<16xi32>,
        %swap3A_349 = arith.constant 24 : index
        %swap3A_350 = tpu.vector_load %arg12[%swap3A_349] {strides = array<i32>} : memref<40xi32, #tpu.memory_space<vmem>>, vector<16xi32>,
        tpu.vector_store %arg12[%swap3A_349], %get3A_348 {strides = array<i32>} : memref<40xi32, #tpu.memory_space<vmem>>, vector<16xi32>,
        %get3A_351 = arith.index_cast %mul3A_334 : i32 to index
        %get3A_352 = tpu.vector_load %arg11[%get3A_351] {strides = array<i32>} : memref<400xi32, #tpu.memory_space<vmem>>, vector<16xi32>,
        %swap3A_353 = arith.constant 0 : index
        %swap3A_354 = tpu.vector_load %arg13[%swap3A_353] {strides = array<i32>} : memref<40xi32, #tpu.memory_space<vmem>>, vector<16xi32>,
        tpu.vector_store %arg13[%swap3A_353], %get3A_352 {strides = array<i32>} : memref<40xi32, #tpu.memory_space<vmem>>, vector<16xi32>,
        %add3A_355 = arith.constant 16 : i32
        %add3A_356 = arith.addi %mul3A_334, %add3A_355 : i32
        %get3A_357 = arith.index_cast %add3A_356 : i32 to index
        %get3A_358 = tpu.vector_load %arg11[%get3A_357] {strides = array<i32>} : memref<400xi32, #tpu.memory_space<vmem>>, vector<16xi32>,
        %swap3A_359 = arith.constant 16 : index
        %swap3A_360 = tpu.vector_load %arg13[%swap3A_359] {strides = array<i32>} : memref<40xi32, #tpu.memory_space<vmem>>, vector<16xi32>,
        tpu.vector_store %arg13[%swap3A_359], %get3A_358 {strides = array<i32>} : memref<40xi32, #tpu.memory_space<vmem>>, vector<16xi32>,
        %add3A_361 = arith.constant 24 : i32
        %add3A_362 = arith.addi %mul3A_334, %add3A_361 : i32
        %get3A_363 = arith.index_cast %add3A_362 : i32 to index
        %get3A_364 = tpu.vector_load %arg11[%get3A_363] {strides = array<i32>} : memref<400xi32, #tpu.memory_space<vmem>>, vector<16xi32>,
        %swap3A_365 = arith.constant 24 : index
        %swap3A_366 = tpu.vector_load %arg13[%swap3A_365] {strides = array<i32>} : memref<40xi32, #tpu.memory_space<vmem>>, vector<16xi32>,
        tpu.vector_store %arg13[%swap3A_365], %get3A_364 {strides = array<i32>} : memref<40xi32, #tpu.memory_space<vmem>>, vector<16xi32>,
        %dma_start3A_367 = arith.constant 0 : i32
        %dma_start3A_368 = arith.constant 0 : i32
        %dma_start3A_369 = tpu.memref_slice %arg2[%dma_start3A_367, %dma_start3A_368] : memref<10000x128xf32, #tpu.memory_space<hbm>> -> memref<10000x128xf32, #tpu.memory_space<hbm>>
        tpu.enqueue_indirect_dma source(%dma_start3A_369 : memref<10000x128xf32, #tpu.memory_space<hbm>>) target(%arg16 : memref<40x128xf32, #tpu.memory_space<vmem>>) offsets(%arg12 : memref<40xi32, #tpu.memory_space<vmem>>) semaphore(%arg23 : memref<!tpu.dma_semaphore, #tpu.memory_space<semaphore_mem>>)
        %dma_start3A_370 = arith.constant 0 : i32
        %dma_start3A_371 = arith.constant 0 : i32
        %dma_start3A_372 = tpu.memref_slice %arg3[%dma_start3A_370, %dma_start3A_371] : memref<10000x128xf32, #tpu.memory_space<hbm>> -> memref<10000x128xf32, #tpu.memory_space<hbm>>
        tpu.enqueue_indirect_dma source(%dma_start3A_372 : memref<10000x128xf32, #tpu.memory_space<hbm>>) target(%arg17 : memref<40x128xf32, #tpu.memory_space<vmem>>) offsets(%arg13 : memref<40xi32, #tpu.memory_space<vmem>>) semaphore(%arg23 : memref<!tpu.dma_semaphore, #tpu.memory_space<semaphore_mem>>)
        %dma_start3A_373 = arith.constant 0 : i32
        %dma_start3A_374 = tpu.memref_slice %arg4[%add3A_332, %dma_start3A_373] : memref<320000x64xi32, #tpu.memory_space<hbm>> -> memref<40x64xi32, #tpu.memory_space<hbm>>
        %dma_start3A_375 = arith.constant 0 : i32
        %dma_start3A_376 = tpu.memref_slice %arg4[%add3A_332, %dma_start3A_375] : memref<320000x64xi32, #tpu.memory_space<hbm>> -> memref<40x64xi32, #tpu.memory_space<hbm>>
        tpu.enqueue_dma source(%dma_start3A_376 : memref<40x64xi32, #tpu.memory_space<hbm>>) target(%arg18 : memref<40x64xi32, #tpu.memory_space<vmem>>) target_semaphore(%arg23 : memref<!tpu.dma_semaphore, #tpu.memory_space<semaphore_mem>>)
      } else {
      }
      %dma_wait3A_294 = arith.constant 0 : i32
      %dma_wait3A_295 = arith.constant 0 : i32
      %dma_wait3A_296 = tpu.memref_slice %arg2[%dma_wait3A_294, %dma_wait3A_295] : memref<10000x128xf32, #tpu.memory_space<hbm>> -> memref<10000x128xf32, #tpu.memory_space<hbm>>
      tpu.wait_indirect_dma semaphore(%arg24 : memref<!tpu.dma_semaphore, #tpu.memory_space<semaphore_mem>>) src(%dma_wait3A_296 : memref<10000x128xf32, #tpu.memory_space<hbm>>) dst(%arg19 : memref<40x128xf32, #tpu.memory_space<vmem>>)
      %dma_wait3A_297 = arith.constant 0 : i32
      %dma_wait3A_298 = arith.constant 0 : i32
      %dma_wait3A_299 = tpu.memref_slice %arg3[%dma_wait3A_297, %dma_wait3A_298] : memref<10000x128xf32, #tpu.memory_space<hbm>> -> memref<10000x128xf32, #tpu.memory_space<hbm>>
      tpu.wait_indirect_dma semaphore(%arg24 : memref<!tpu.dma_semaphore, #tpu.memory_space<semaphore_mem>>) src(%dma_wait3A_299 : memref<10000x128xf32, #tpu.memory_space<hbm>>) dst(%arg20 : memref<40x128xf32, #tpu.memory_space<vmem>>)
      %dma_wait3A_300 = arith.constant 0 : i32
      %dma_wait3A_301 = arith.constant 0 : i32
      %dma_wait3A_302 = tpu.memref_slice %arg4[%dma_wait3A_300, %dma_wait3A_301] : memref<320000x64xi32, #tpu.memory_space<hbm>> -> memref<40x64xi32, #tpu.memory_space<hbm>>
      %dma_wait3A_303 = arith.constant 0 : i32
      %dma_wait3A_304 = arith.constant 0 : i32
      %dma_wait3A_305 = tpu.memref_slice %arg4[%dma_wait3A_303, %dma_wait3A_304] : memref<320000x64xi32, #tpu.memory_space<hbm>> -> memref<40x64xi32, #tpu.memory_space<hbm>>
      tpu.wait_dma2 semaphore(%arg24 : memref<!tpu.dma_semaphore, #tpu.memory_space<semaphore_mem>>) src(%dma_wait3A_305 : memref<40x64xi32, #tpu.memory_space<hbm>>) dst(%arg21 : memref<40x64xi32, #tpu.memory_space<vmem>>)
      %scan3A_306 = arith.constant 0 : i32
      %scan3A_307 = arith.constant 0 : i32
      %scan3A_308 = arith.constant 40 : i32
      %scan3A_309 = arith.addi %scan3A_307, %scan3A_308 : i32
      %scan3A_310 = arith.constant 1 : i32
      %scan3A_311 = scf.for %scan3A_317 = %scan3A_307 to %scan3A_309 step %scan3A_310 iter_args(%scan3A_318 = %scan3A_306) -> (i32)  : i32 {
        %get3A_319 = arith.index_cast %scan3A_317 : i32 to index
        %get3A_320 = arith.constant 0 : index
        %get3A_321 = tpu.vector_load %arg21[%get3A_319, %get3A_320] {strides = array<i32>} : memref<40x64xi32, #tpu.memory_space<vmem>>, vector<16xi32>,
        %shift_left3A = arith.shli %get3A_321, %broadcast_in_dim3A_84 : vector<16xi32>
        %bitcast3A = vector.bitcast %shift_left3A : vector<16xi32> to vector<16xf32>
        %and3A_322 = arith.andi %get3A_321, %broadcast_in_dim3A_86 : vector<16xi32>
        %bitcast3A_323 = vector.bitcast %and3A_322 : vector<16xi32> to vector<16xf32>
        %get3A_324 = arith.index_cast %scan3A_317 : i32 to index
        %get3A_325 = arith.constant 0 : index
        %get3A_326 = tpu.vector_load %arg19[%get3A_324, %get3A_325] {strides = array<i32>} : memref<40x128xf32, #tpu.memory_space<vmem>>, vector<16xf32>,
        %get3A_327 = arith.index_cast %scan3A_317 : i32 to index
        %get3A_328 = arith.constant 0 : index
        %get3A_329 = tpu.vector_load %arg20[%get3A_327, %get3A_328] {strides = array<i32>} : memref<40x128xf32, #tpu.memory_space<vmem>>, vector<16xf32>,
        %add3A_330 = arith.addf %get3A_326, %get3A_329 : vector<16xf32>
        %add3A_331 = arith.addf %add3A_330, %bitcast3A : vector<16xf32>
        %get3A_332 = arith.index_cast %scan3A_317 : i32 to index
        %get3A_333 = arith.constant 64 : index
        %get3A_334 = tpu.vector_load %arg19[%get3A_332, %get3A_333] {strides = array<i32>} : memref<40x128xf32, #tpu.memory_space<vmem>>, vector<16xf32>,
        %get3A_335 = arith.index_cast %scan3A_317 : i32 to index
        %get3A_336 = arith.constant 64 : index
        %get3A_337 = tpu.vector_load %arg20[%get3A_335, %get3A_336] {strides = array<i32>} : memref<40x128xf32, #tpu.memory_space<vmem>>, vector<16xf32>,
        %add3A_338 = arith.addf %get3A_334, %get3A_337 : vector<16xf32>
        %add3A_339 = arith.addf %add3A_338, %bitcast3A_323 : vector<16xf32>
        %max3A = arith.constant 0.000000e+00 : f32
        %max3A_340 = vector.broadcast %max3A : f32 to vector<16xf32>
        %max3A_341 = arith.maximumf %add3A_331, %max3A_340 : vector<16xf32>
        %swap3A_342 = arith.index_cast %scan3A_317 : i32 to index
        %swap3A_343 = arith.constant 0 : index
        %swap3A_344 = tpu.vector_load %arg19[%swap3A_342, %swap3A_343] {strides = array<i32>} : memref<40x128xf32, #tpu.memory_space<vmem>>, vector<16xf32>,
        tpu.vector_store %arg19[%swap3A_342, %swap3A_343], %max3A_341 {strides = array<i32>} : memref<40x128xf32, #tpu.memory_space<vmem>>, vector<16xf32>,
        %max3A_345 = arith.constant 0.000000e+00 : f32
        %max3A_346 = vector.broadcast %max3A_345 : f32 to vector<16xf32>
        %max3A_347 = arith.maximumf %add3A_339, %max3A_346 : vector<16xf32>
        %swap3A_348 = arith.index_cast %scan3A_317 : i32 to index
        %swap3A_349 = arith.constant 64 : index
        %swap3A_350 = tpu.vector_load %arg19[%swap3A_348, %swap3A_349] {strides = array<i32>} : memref<40x128xf32, #tpu.memory_space<vmem>>, vector<16xf32>,
        tpu.vector_store %arg19[%swap3A_348, %swap3A_349], %max3A_347 {strides = array<i32>} : memref<40x128xf32, #tpu.memory_space<vmem>>, vector<16xf32>,
        %get3A_351 = arith.index_cast %scan3A_317 : i32 to index
        %get3A_352 = arith.constant 16 : index
        %get3A_353 = tpu.vector_load %arg21[%get3A_351, %get3A_352] {strides = array<i32>} : memref<40x64xi32, #tpu.memory_space<vmem>>, vector<16xi32>,
        %shift_left3A_354 = arith.shli %get3A_353, %broadcast_in_dim3A_84 : vector<16xi32>
        %bitcast3A_355 = vector.bitcast %shift_left3A_354 : vector<16xi32> to vector<16xf32>
        %and3A_356 = arith.andi %get3A_353, %broadcast_in_dim3A_86 : vector<16xi32>
        %bitcast3A_357 = vector.bitcast %and3A_356 : vector<16xi32> to vector<16xf32>
        %get3A_358 = arith.index_cast %scan3A_317 : i32 to index
        %get3A_359 = arith.constant 16 : index
        %get3A_360 = tpu.vector_load %arg19[%get3A_358, %get3A_359] {strides = array<i32>} : memref<40x128xf32, #tpu.memory_space<vmem>>, vector<16xf32>,
        %get3A_361 = arith.index_cast %scan3A_317 : i32 to index
        %get3A_362 = arith.constant 16 : index
        %get3A_363 = tpu.vector_load %arg20[%get3A_361, %get3A_362] {strides = array<i32>} : memref<40x128xf32, #tpu.memory_space<vmem>>, vector<16xf32>,
        %add3A_364 = arith.addf %get3A_360, %get3A_363 : vector<16xf32>
        %add3A_365 = arith.addf %add3A_364, %bitcast3A_355 : vector<16xf32>
        %get3A_366 = arith.index_cast %scan3A_317 : i32 to index
        %get3A_367 = arith.constant 80 : index
        %get3A_368 = tpu.vector_load %arg19[%get3A_366, %get3A_367] {strides = array<i32>} : memref<40x128xf32, #tpu.memory_space<vmem>>, vector<16xf32>,
        %get3A_369 = arith.index_cast %scan3A_317 : i32 to index
        %get3A_370 = arith.constant 80 : index
        %get3A_371 = tpu.vector_load %arg20[%get3A_369, %get3A_370] {strides = array<i32>} : memref<40x128xf32, #tpu.memory_space<vmem>>, vector<16xf32>,
        %add3A_372 = arith.addf %get3A_368, %get3A_371 : vector<16xf32>
        %add3A_373 = arith.addf %add3A_372, %bitcast3A_357 : vector<16xf32>
        %max3A_374 = arith.constant 0.000000e+00 : f32
        %max3A_375 = vector.broadcast %max3A_374 : f32 to vector<16xf32>
        %max3A_376 = arith.maximumf %add3A_365, %max3A_375 : vector<16xf32>
        %swap3A_377 = arith.index_cast %scan3A_317 : i32 to index
        %swap3A_378 = arith.constant 16 : index
        %swap3A_379 = tpu.vector_load %arg19[%swap3A_377, %swap3A_378] {strides = array<i32>} : memref<40x128xf32, #tpu.memory_space<vmem>>, vector<16xf32>,
        tpu.vector_store %arg19[%swap3A_377, %swap3A_378], %max3A_376 {strides = array<i32>} : memref<40x128xf32, #tpu.memory_space<vmem>>, vector<16xf32>,
        %max3A_380 = arith.constant 0.000000e+00 : f32
        %max3A_381 = vector.broadcast %max3A_380 : f32 to vector<16xf32>
        %max3A_382 = arith.maximumf %add3A_373, %max3A_381 : vector<16xf32>
        %swap3A_383 = arith.index_cast %scan3A_317 : i32 to index
        %swap3A_384 = arith.constant 80 : index
        %swap3A_385 = tpu.vector_load %arg19[%swap3A_383, %swap3A_384] {strides = array<i32>} : memref<40x128xf32, #tpu.memory_space<vmem>>, vector<16xf32>,
        tpu.vector_store %arg19[%swap3A_383, %swap3A_384], %max3A_382 {strides = array<i32>} : memref<40x128xf32, #tpu.memory_space<vmem>>, vector<16xf32>,
        %get3A_386 = arith.index_cast %scan3A_317 : i32 to index
        %get3A_387 = arith.constant 32 : index
        %get3A_388 = tpu.vector_load %arg21[%get3A_386, %get3A_387] {strides = array<i32>} : memref<40x64xi32, #tpu.memory_space<vmem>>, vector<16xi32>,
        %shift_left3A_389 = arith.shli %get3A_388, %broadcast_in_dim3A_84 : vector<16xi32>
        %bitcast3A_390 = vector.bitcast %shift_left3A_389 : vector<16xi32> to vector<16xf32>
        %and3A_391 = arith.andi %get3A_388, %broadcast_in_dim3A_86 : vector<16xi32>
        %bitcast3A_392 = vector.bitcast %and3A_391 : vector<16xi32> to vector<16xf32>
        %get3A_393 = arith.index_cast %scan3A_317 : i32 to index
        %get3A_394 = arith.constant 32 : index
        %get3A_395 = tpu.vector_load %arg19[%get3A_393, %get3A_394] {strides = array<i32>} : memref<40x128xf32, #tpu.memory_space<vmem>>, vector<16xf32>,
        %get3A_396 = arith.index_cast %scan3A_317 : i32 to index
        %get3A_397 = arith.constant 32 : index
        %get3A_398 = tpu.vector_load %arg20[%get3A_396, %get3A_397] {strides = array<i32>} : memref<40x128xf32, #tpu.memory_space<vmem>>, vector<16xf32>,
        %add3A_399 = arith.addf %get3A_395, %get3A_398 : vector<16xf32>
        %add3A_400 = arith.addf %add3A_399, %bitcast3A_390 : vector<16xf32>
        %get3A_401 = arith.index_cast %scan3A_317 : i32 to index
        %get3A_402 = arith.constant 96 : index
        %get3A_403 = tpu.vector_load %arg19[%get3A_401, %get3A_402] {strides = array<i32>} : memref<40x128xf32, #tpu.memory_space<vmem>>, vector<16xf32>,
        %get3A_404 = arith.index_cast %scan3A_317 : i32 to index
        %get3A_405 = arith.constant 96 : index
        %get3A_406 = tpu.vector_load %arg20[%get3A_404, %get3A_405] {strides = array<i32>} : memref<40x128xf32, #tpu.memory_space<vmem>>, vector<16xf32>,
        %add3A_407 = arith.addf %get3A_403, %get3A_406 : vector<16xf32>
        %add3A_408 = arith.addf %add3A_407, %bitcast3A_392 : vector<16xf32>
        %max3A_409 = arith.constant 0.000000e+00 : f32
        %max3A_410 = vector.broadcast %max3A_409 : f32 to vector<16xf32>
        %max3A_411 = arith.maximumf %add3A_400, %max3A_410 : vector<16xf32>
        %swap3A_412 = arith.index_cast %scan3A_317 : i32 to index
        %swap3A_413 = arith.constant 32 : index
        %swap3A_414 = tpu.vector_load %arg19[%swap3A_412, %swap3A_413] {strides = array<i32>} : memref<40x128xf32, #tpu.memory_space<vmem>>, vector<16xf32>,
        tpu.vector_store %arg19[%swap3A_412, %swap3A_413], %max3A_411 {strides = array<i32>} : memref<40x128xf32, #tpu.memory_space<vmem>>, vector<16xf32>,
        %max3A_415 = arith.constant 0.000000e+00 : f32
        %max3A_416 = vector.broadcast %max3A_415 : f32 to vector<16xf32>
        %max3A_417 = arith.maximumf %add3A_408, %max3A_416 : vector<16xf32>
        %swap3A_418 = arith.index_cast %scan3A_317 : i32 to index
        %swap3A_419 = arith.constant 96 : index
        %swap3A_420 = tpu.vector_load %arg19[%swap3A_418, %swap3A_419] {strides = array<i32>} : memref<40x128xf32, #tpu.memory_space<vmem>>, vector<16xf32>,
        tpu.vector_store %arg19[%swap3A_418, %swap3A_419], %max3A_417 {strides = array<i32>} : memref<40x128xf32, #tpu.memory_space<vmem>>, vector<16xf32>,
        %get3A_421 = arith.index_cast %scan3A_317 : i32 to index
        %get3A_422 = arith.constant 48 : index
        %get3A_423 = tpu.vector_load %arg21[%get3A_421, %get3A_422] {strides = array<i32>} : memref<40x64xi32, #tpu.memory_space<vmem>>, vector<16xi32>,
        %shift_left3A_424 = arith.shli %get3A_423, %broadcast_in_dim3A_84 : vector<16xi32>
        %bitcast3A_425 = vector.bitcast %shift_left3A_424 : vector<16xi32> to vector<16xf32>
        %and3A_426 = arith.andi %get3A_423, %broadcast_in_dim3A_86 : vector<16xi32>
        %bitcast3A_427 = vector.bitcast %and3A_426 : vector<16xi32> to vector<16xf32>
        %get3A_428 = arith.index_cast %scan3A_317 : i32 to index
        %get3A_429 = arith.constant 48 : index
        %get3A_430 = tpu.vector_load %arg19[%get3A_428, %get3A_429] {strides = array<i32>} : memref<40x128xf32, #tpu.memory_space<vmem>>, vector<16xf32>,
        %get3A_431 = arith.index_cast %scan3A_317 : i32 to index
        %get3A_432 = arith.constant 48 : index
        %get3A_433 = tpu.vector_load %arg20[%get3A_431, %get3A_432] {strides = array<i32>} : memref<40x128xf32, #tpu.memory_space<vmem>>, vector<16xf32>,
        %add3A_434 = arith.addf %get3A_430, %get3A_433 : vector<16xf32>
        %add3A_435 = arith.addf %add3A_434, %bitcast3A_425 : vector<16xf32>
        %get3A_436 = arith.index_cast %scan3A_317 : i32 to index
        %get3A_437 = arith.constant 112 : index
        %get3A_438 = tpu.vector_load %arg19[%get3A_436, %get3A_437] {strides = array<i32>} : memref<40x128xf32, #tpu.memory_space<vmem>>, vector<16xf32>,
        %get3A_439 = arith.index_cast %scan3A_317 : i32 to index
        %get3A_440 = arith.constant 112 : index
        %get3A_441 = tpu.vector_load %arg20[%get3A_439, %get3A_440] {strides = array<i32>} : memref<40x128xf32, #tpu.memory_space<vmem>>, vector<16xf32>,
        %add3A_442 = arith.addf %get3A_438, %get3A_441 : vector<16xf32>
        %add3A_443 = arith.addf %add3A_442, %bitcast3A_427 : vector<16xf32>
        %max3A_444 = arith.constant 0.000000e+00 : f32
        %max3A_445 = vector.broadcast %max3A_444 : f32 to vector<16xf32>
        %max3A_446 = arith.maximumf %add3A_435, %max3A_445 : vector<16xf32>
        %swap3A_447 = arith.index_cast %scan3A_317 : i32 to index
        %swap3A_448 = arith.constant 48 : index
        %swap3A_449 = tpu.vector_load %arg19[%swap3A_447, %swap3A_448] {strides = array<i32>} : memref<40x128xf32, #tpu.memory_space<vmem>>, vector<16xf32>,
        tpu.vector_store %arg19[%swap3A_447, %swap3A_448], %max3A_446 {strides = array<i32>} : memref<40x128xf32, #tpu.memory_space<vmem>>, vector<16xf32>,
        %max3A_450 = arith.constant 0.000000e+00 : f32
        %max3A_451 = vector.broadcast %max3A_450 : f32 to vector<16xf32>
        %max3A_452 = arith.maximumf %add3A_443, %max3A_451 : vector<16xf32>
        %swap3A_453 = arith.index_cast %scan3A_317 : i32 to index
        %swap3A_454 = arith.constant 112 : index
        %swap3A_455 = tpu.vector_load %arg19[%swap3A_453, %swap3A_454] {strides = array<i32>} : memref<40x128xf32, #tpu.memory_space<vmem>>, vector<16xf32>,
        tpu.vector_store %arg19[%swap3A_453, %swap3A_454], %max3A_452 {strides = array<i32>} : memref<40x128xf32, #tpu.memory_space<vmem>>, vector<16xf32>,
        %scan3A_456 = arith.constant 0 : i32
        scf.yield %scan3A_456 : i32
      }
      %scan3A_312 = arith.constant 40 : i32
      %dma_start3A_313 = arith.constant 0 : i32
      %dma_start3A_314 = arith.constant 0 : i32
      %dma_start3A_315 = tpu.memref_slice %arg9[%dma_start3A_313, %dma_start3A_314] : memref<10240x128xf32, #tpu.memory_space<vmem_shared>> -> memref<10240x128xf32, #tpu.memory_space<vmem_shared>>
      tpu.enqueue_indirect_dma source(%arg19 : memref<40x128xf32, #tpu.memory_space<vmem>>) target(%dma_start3A_315 : memref<10240x128xf32, #tpu.memory_space<vmem_shared>>) offsets(%arg14 : memref<40xi32, #tpu.memory_space<vmem>>) semaphore(%arg26 : memref<!tpu.dma_semaphore, #tpu.memory_space<semaphore_mem>>) {add = true}
      %scan3A_316 = arith.constant 0 : i32
      scf.yield %scan3A_316 : i32
    }
    %scan3A_176 = arith.constant 125 : i32
    %dma_wait3A = arith.constant 0 : i32
    %dma_wait3A_177 = arith.constant 0 : i32
    %dma_wait3A_178 = tpu.memref_slice %arg9[%dma_wait3A, %dma_wait3A_177] : memref<10240x128xf32, #tpu.memory_space<vmem_shared>> -> memref<40x128xf32, #tpu.memory_space<vmem_shared>>
    %dma_wait3A_179 = arith.constant 0 : i32
    %dma_wait3A_180 = arith.constant 0 : i32
    %dma_wait3A_181 = tpu.memref_slice %arg9[%dma_wait3A_179, %dma_wait3A_180] : memref<10240x128xf32, #tpu.memory_space<vmem_shared>> -> memref<40x128xf32, #tpu.memory_space<vmem_shared>>
    tpu.wait_dma2 semaphore(%arg25 : memref<!tpu.dma_semaphore, #tpu.memory_space<semaphore_mem>>) src(%arg16 : memref<40x128xf32, #tpu.memory_space<vmem>>) dst(%dma_wait3A_181 : memref<40x128xf32, #tpu.memory_space<vmem_shared>>)
    %dma_wait3A_182 = arith.constant 0 : i32
    %dma_wait3A_183 = arith.constant 0 : i32
    %dma_wait3A_184 = tpu.memref_slice %arg9[%dma_wait3A_182, %dma_wait3A_183] : memref<10240x128xf32, #tpu.memory_space<vmem_shared>> -> memref<40x128xf32, #tpu.memory_space<vmem_shared>>
    %dma_wait3A_185 = arith.constant 0 : i32
    %dma_wait3A_186 = arith.constant 0 : i32
    %dma_wait3A_187 = tpu.memref_slice %arg9[%dma_wait3A_185, %dma_wait3A_186] : memref<10240x128xf32, #tpu.memory_space<vmem_shared>> -> memref<40x128xf32, #tpu.memory_space<vmem_shared>>
    tpu.wait_dma2 semaphore(%arg26 : memref<!tpu.dma_semaphore, #tpu.memory_space<semaphore_mem>>) src(%arg19 : memref<40x128xf32, #tpu.memory_space<vmem>>) dst(%dma_wait3A_187 : memref<40x128xf32, #tpu.memory_space<vmem_shared>>)
    %barrier3A_188 = arith.constant 0 : index
    tpu.barrier barrier_id(%barrier3A_188)
    %mul3A_189 = arith.constant 640 : i32
    %mul3A_190 = arith.muli %arg1, %mul3A_189 : i32
    %mul3A_191 = arith.constant 640 : i32
    %mul3A_192 = arith.muli %arg1, %mul3A_191 : i32
    "tpu.region"() ({
      %run_scoped3A = tpu.sem_alloc : memref<!tpu.dma_semaphore, #tpu.memory_space<semaphore_mem>>
      %dma_start3A_193 = arith.constant 0 : i32
      %dma_start3A_194 = tpu.memref_slice %arg7[%arg0, %mul3A_192, %dma_start3A_193] : memref<2x10240x128xf32, #tpu.memory_space<hbm>> -> memref<1x640x128xf32, #tpu.memory_space<hbm>>
      %dma_start3A_195 = tpu.memref_squeeze %dma_start3A_194 : memref<1x640x128xf32, #tpu.memory_space<hbm>> -> memref<640x128xf32, #tpu.memory_space<hbm>>
      %dma_start3A_196 = arith.constant 0 : i32
      %dma_start3A_197 = tpu.memref_slice %arg9[%mul3A_190, %dma_start3A_196] : memref<10240x128xf32, #tpu.memory_space<vmem_shared>> -> memref<640x128xf32, #tpu.memory_space<vmem_shared>>
      tpu.enqueue_dma source(%dma_start3A_197 : memref<640x128xf32, #tpu.memory_space<vmem_shared>>) target(%dma_start3A_195 : memref<640x128xf32, #tpu.memory_space<hbm>>) target_semaphore(%run_scoped3A : memref<!tpu.dma_semaphore, #tpu.memory_space<semaphore_mem>>)
      %dma_wait3A_198 = arith.constant 0 : i32
      %dma_wait3A_199 = tpu.memref_slice %arg7[%arg0, %mul3A_192, %dma_wait3A_198] : memref<2x10240x128xf32, #tpu.memory_space<hbm>> -> memref<1x640x128xf32, #tpu.memory_space<hbm>>
      %dma_wait3A_200 = tpu.memref_squeeze %dma_wait3A_199 : memref<1x640x128xf32, #tpu.memory_space<hbm>> -> memref<640x128xf32, #tpu.memory_space<hbm>>
      %dma_wait3A_201 = arith.constant 0 : i32
      %dma_wait3A_202 = tpu.memref_slice %arg9[%mul3A_190, %dma_wait3A_201] : memref<10240x128xf32, #tpu.memory_space<vmem_shared>> -> memref<640x128xf32, #tpu.memory_space<vmem_shared>>
      tpu.wait_dma2 semaphore(%run_scoped3A : memref<!tpu.dma_semaphore, #tpu.memory_space<semaphore_mem>>) src(%dma_wait3A_202 : memref<640x128xf32, #tpu.memory_space<vmem_shared>>) dst(%dma_wait3A_200 : memref<640x128xf32, #tpu.memory_space<hbm>>)
      tpu.yield
    }) : () -> ()
    "tpu.region"() ({
      %run_scoped3A = tpu.sem_alloc : memref<!tpu.dma_semaphore, #tpu.memory_space<semaphore_mem>>
      %dma_start3A_193 = arith.constant 0 : i32
      %dma_start3A_194 = tpu.memref_slice %arg8[%arg0, %arg1, %dma_start3A_193] : memref<2x16x10240xf32, #tpu.memory_space<hbm>> -> memref<1x1x10240xf32, #tpu.memory_space<hbm>>
      %dma_start3A_195 = tpu.memref_squeeze %dma_start3A_194 : memref<1x1x10240xf32, #tpu.memory_space<hbm>> -> memref<10240xf32, #tpu.memory_space<hbm>>
      %dma_start3A_196 = arith.constant 0 : i32
      %dma_start3A_197 = tpu.memref_slice %arg8[%arg0, %arg1, %dma_start3A_196] : memref<2x16x10240xf32, #tpu.memory_space<hbm>> -> memref<1x1x10240xf32, #tpu.memory_space<hbm>>
      %dma_start3A_198 = tpu.memref_squeeze %dma_start3A_197 : memref<1x1x10240xf32, #tpu.memory_space<hbm>> -> memref<10240xf32, #tpu.memory_space<hbm>>
      tpu.enqueue_dma source(%arg22 : memref<10240xf32, #tpu.memory_space<vmem>>) target(%dma_start3A_198 : memref<10240xf32, #tpu.memory_space<hbm>>) target_semaphore(%run_scoped3A : memref<!tpu.dma_semaphore, #tpu.memory_space<semaphore_mem>>)
      %dma_wait3A_199 = arith.constant 0 : i32
      %dma_wait3A_200 = tpu.memref_slice %arg8[%arg0, %arg1, %dma_wait3A_199] : memref<2x16x10240xf32, #tpu.memory_space<hbm>> -> memref<1x1x10240xf32, #tpu.memory_space<hbm>>
      %dma_wait3A_201 = tpu.memref_squeeze %dma_wait3A_200 : memref<1x1x10240xf32, #tpu.memory_space<hbm>> -> memref<10240xf32, #tpu.memory_space<hbm>>
      %dma_wait3A_202 = arith.constant 0 : i32
      %dma_wait3A_203 = tpu.memref_slice %arg8[%arg0, %arg1, %dma_wait3A_202] : memref<2x16x10240xf32, #tpu.memory_space<hbm>> -> memref<1x1x10240xf32, #tpu.memory_space<hbm>>
      %dma_wait3A_204 = tpu.memref_squeeze %dma_wait3A_203 : memref<1x1x10240xf32, #tpu.memory_space<hbm>> -> memref<10240xf32, #tpu.memory_space<hbm>>
      tpu.wait_dma2 semaphore(%run_scoped3A : memref<!tpu.dma_semaphore, #tpu.memory_space<semaphore_mem>>) src(%arg22 : memref<10240xf32, #tpu.memory_space<vmem>>) dst(%dma_wait3A_204 : memref<10240xf32, #tpu.memory_space<hbm>>)
      tpu.yield
    }) : () -> ()
    return
  }
}

module attributes {stable_mosaic.version = 14 : i64} {
  func.func @_prep_body(%arg0: memref<10000x128xf32, #tpu.memory_space<vmem>>, %arg1: memref<256x128xf32, #tpu.memory_space<vmem>>, %arg2: memref<10000x128xf32, #tpu.memory_space<vmem>>, %arg3: memref<10000x128xf32, #tpu.memory_space<vmem>>) attributes {dimension_semantics = [], scalar_prefetch = 0 : i64, scratch_operands = 0 : i64, tpu.core_type = #tpu.core_type<tc>} {
    %get3A = arith.constant 0 : index
    %get3A_0 = arith.constant 0 : index
    %get3A_1 = vector.load %arg1[%get3A, %get3A_0] : memref<256x128xf32, #tpu.memory_space<vmem>>, vector<128x128xf32>
    %get3A_2 = arith.constant 128 : index
    %get3A_3 = arith.constant 0 : index
    %get3A_4 = vector.load %arg1[%get3A_2, %get3A_3] : memref<256x128xf32, #tpu.memory_space<vmem>>, vector<128x128xf32>
    %get3A_5 = arith.constant 0 : index
    %get3A_6 = arith.constant 0 : index
    %get3A_7 = vector.load %arg0[%get3A_5, %get3A_6] : memref<10000x128xf32, #tpu.memory_space<vmem>>, vector<10000x128xf32>
    %sub3A = arith.subf %get3A_1, %get3A_4 : vector<128x128xf32>
    %dot_general3A = arith.constant dense<0.000000e+00> : vector<10000x128xf32>
    %dot_general3A_8 = tpu.matmul %get3A_7, %sub3A, %dot_general3A {dimension_numbers = #tpu.dot_dimension_numbers<[1], [0], [0], [1], [0, 0, 1, 1], [], []>, transpose_lhs_hint = false} : vector<10000x128xf32>, vector<128x128xf32>, vector<10000x128xf32> -> vector<10000x128xf32>
    %swap3A = arith.constant 0 : index
    %swap3A_9 = arith.constant 0 : index
    %swap3A_10 = vector.load %arg2[%swap3A, %swap3A_9] : memref<10000x128xf32, #tpu.memory_space<vmem>>, vector<10000x128xf32>
    tpu.vector_store %arg2[%swap3A, %swap3A_9], %dot_general3A_8 {strides = array<i32>} : memref<10000x128xf32, #tpu.memory_space<vmem>>, vector<10000x128xf32>,
    %dot_general3A_11 = arith.constant dense<0.000000e+00> : vector<10000x128xf32>
    %dot_general3A_12 = tpu.matmul %get3A_7, %get3A_4, %dot_general3A_11 {dimension_numbers = #tpu.dot_dimension_numbers<[1], [0], [0], [1], [0, 0, 1, 1], [], []>, transpose_lhs_hint = false} : vector<10000x128xf32>, vector<128x128xf32>, vector<10000x128xf32> -> vector<10000x128xf32>
    %swap3A_13 = arith.constant 0 : index
    %swap3A_14 = arith.constant 0 : index
    %swap3A_15 = vector.load %arg3[%swap3A_13, %swap3A_14] : memref<10000x128xf32, #tpu.memory_space<vmem>>, vector<10000x128xf32>
    tpu.vector_store %arg3[%swap3A_13, %swap3A_14], %dot_general3A_12 {strides = array<i32>} : memref<10000x128xf32, #tpu.memory_space<vmem>>, vector<10000x128xf32>,
    return
  }
}

module attributes {stable_mosaic.version = 14 : i64} {
  func.func @_edge_bias_body(%arg0: i32, %arg1: memref<8000x16xf32, #tpu.memory_space<vmem>>, %arg2: memref<272x128xf32, #tpu.memory_space<vmem>>, %arg3: memref<1x128xf32, #tpu.memory_space<vmem>>, %arg4: memref<8000x64xi32, #tpu.memory_space<vmem>>) attributes {dimension_semantics = [#tpu.dimension_semantics<arbitrary>], iteration_bounds = array<i64: 40>, scalar_prefetch = 0 : i64, scratch_operands = 0 : i64, tpu.core_type = #tpu.core_type<tc>, window_params = [{transform_indices = @transform_0, window_bounds = array<i64: 8000, 16>}, {pipeline_mode = #tpu.pipeline_mode<synchronous>, transform_indices = @transform_1, window_bounds = array<i64: 272, 128>}, {pipeline_mode = #tpu.pipeline_mode<synchronous>, transform_indices = @transform_2, window_bounds = array<i64: 1, 128>}, {transform_indices = @transform_3, window_bounds = array<i64: 8000, 64>}]} {
    %get3A = arith.constant 256 : index
    %get3A_0 = arith.constant 0 : index
    %get3A_1 = vector.load %arg2[%get3A, %get3A_0] : memref<272x128xf32, #tpu.memory_space<vmem>>, vector<16x128xf32>
    %get3A_2 = arith.constant 0 : index
    %get3A_3 = arith.constant 0 : index
    %get3A_4 = vector.load %arg1[%get3A_2, %get3A_3] : memref<8000x16xf32, #tpu.memory_space<vmem>>, vector<8000x16xf32>
    %dot_general3A = arith.constant dense<0.000000e+00> : vector<8000x128xf32>
    %dot_general3A_5 = tpu.matmul %get3A_4, %get3A_1, %dot_general3A {dimension_numbers = #tpu.dot_dimension_numbers<[1], [0], [0], [1], [0, 0, 1, 1], [], []>, transpose_lhs_hint = false} : vector<8000x16xf32>, vector<16x128xf32>, vector<8000x128xf32> -> vector<8000x128xf32>
    %get3A_6 = arith.constant 0 : index
    %get3A_7 = arith.constant 0 : index
    %get3A_8 = vector.load %arg3[%get3A_6, %get3A_7] : memref<1x128xf32, #tpu.memory_space<vmem>>, vector<1x128xf32>
    %add3A = vector.broadcast %get3A_8 : vector<1x128xf32> to vector<8000x128xf32>
    %add3A_9 = arith.addf %dot_general3A_5, %add3A : vector<8000x128xf32>
    %slice3A = vector.extract_strided_slice %add3A_9 {offsets = [0, 0], sizes = [8000, 64], strides = [1, 1]} : vector<8000x128xf32> to vector<8000x64xf32>
    %bitcast_convert_type3A = tpu.bitcast %slice3A : vector<8000x64xf32> -> vector<8000x64xi32>
    %shift_right_logical3A = arith.constant 16 : i32
    %shift_right_logical3A_10 = vector.broadcast %shift_right_logical3A : i32 to vector<8000x64xi32>
    %shift_right_logical3A_11 = arith.shrui %bitcast_convert_type3A, %shift_right_logical3A_10 : vector<8000x64xi32>
    %and3A = arith.constant 1 : i32
    %and3A_12 = vector.broadcast %and3A : i32 to vector<8000x64xi32>
    %and3A_13 = arith.andi %shift_right_logical3A_11, %and3A_12 : vector<8000x64xi32>
    %add3A_14 = arith.constant 32767 : i32
    %add3A_15 = vector.broadcast %add3A_14 : i32 to vector<8000x64xi32>
    %add3A_16 = arith.addi %bitcast_convert_type3A, %add3A_15 : vector<8000x64xi32>
    %add3A_17 = arith.addi %add3A_16, %and3A_13 : vector<8000x64xi32>
    %shift_right_logical3A_18 = arith.constant 16 : i32
    %shift_right_logical3A_19 = vector.broadcast %shift_right_logical3A_18 : i32 to vector<8000x64xi32>
    %shift_right_logical3A_20 = arith.shrui %add3A_17, %shift_right_logical3A_19 : vector<8000x64xi32>
    %slice3A_21 = vector.extract_strided_slice %add3A_9 {offsets = [0, 64], sizes = [8000, 64], strides = [1, 1]} : vector<8000x128xf32> to vector<8000x64xf32>
    %bitcast_convert_type3A_22 = tpu.bitcast %slice3A_21 : vector<8000x64xf32> -> vector<8000x64xi32>
    %shift_right_logical3A_23 = arith.constant 16 : i32
    %shift_right_logical3A_24 = vector.broadcast %shift_right_logical3A_23 : i32 to vector<8000x64xi32>
    %shift_right_logical3A_25 = arith.shrui %bitcast_convert_type3A_22, %shift_right_logical3A_24 : vector<8000x64xi32>
    %and3A_26 = arith.constant 1 : i32
    %and3A_27 = vector.broadcast %and3A_26 : i32 to vector<8000x64xi32>
    %and3A_28 = arith.andi %shift_right_logical3A_25, %and3A_27 : vector<8000x64xi32>
    %add3A_29 = arith.constant 32767 : i32
    %add3A_30 = vector.broadcast %add3A_29 : i32 to vector<8000x64xi32>
    %add3A_31 = arith.addi %bitcast_convert_type3A_22, %add3A_30 : vector<8000x64xi32>
    %add3A_32 = arith.addi %add3A_31, %and3A_28 : vector<8000x64xi32>
    %shift_right_logical3A_33 = arith.constant 16 : i32
    %shift_right_logical3A_34 = vector.broadcast %shift_right_logical3A_33 : i32 to vector<8000x64xi32>
    %shift_right_logical3A_35 = arith.shrui %add3A_32, %shift_right_logical3A_34 : vector<8000x64xi32>
    %shift_left3A = arith.constant 16 : i32
    %shift_left3A_36 = vector.broadcast %shift_left3A : i32 to vector<8000x64xi32>
    %shift_left3A_37 = arith.shli %shift_right_logical3A_35, %shift_left3A_36 : vector<8000x64xi32>
    %or3A = arith.ori %shift_left3A_37, %shift_right_logical3A_20 : vector<8000x64xi32>
    %bitcast_convert_type3A_38 = tpu.bitcast %or3A : vector<8000x64xi32> -> vector<8000x64xi32>
    %swap3A = arith.constant 0 : index
    %swap3A_39 = arith.constant 0 : index
    %swap3A_40 = vector.load %arg4[%swap3A, %swap3A_39] : memref<8000x64xi32, #tpu.memory_space<vmem>>, vector<8000x64xi32>
    tpu.vector_store %arg4[%swap3A, %swap3A_39], %bitcast_convert_type3A_38 {strides = array<i32>} : memref<8000x64xi32, #tpu.memory_space<vmem>>, vector<8000x64xi32>,
    return
  }
  func.func @transform_0(%arg0: i32) -> (i32, i32) {
    %c0_i32 = arith.constant 0 : i32
    %c0_i32_0 = arith.constant 0 : i32
    return %arg0, %c0_i32 : i32, i32
  }
  func.func @transform_1(%arg0: i32) -> (i32, i32) {
    %c0_i32 = arith.constant 0 : i32
    %c0_i32_0 = arith.constant 0 : i32
    %c0_i32_1 = arith.constant 0 : i32
    return %c0_i32, %c0_i32_0 : i32, i32
  }
  func.func @transform_2(%arg0: i32) -> (i32, i32) {
    %c0_i32 = arith.constant 0 : i32
    %c0_i32_0 = arith.constant 0 : i32
    %c0_i32_1 = arith.constant 0 : i32
    return %c0_i32, %c0_i32_0 : i32, i32
  }
  func.func @transform_3(%arg0: i32) -> (i32, i32) {
    %c0_i32 = arith.constant 0 : i32
    %c0_i32_0 = arith.constant 0 : i32
    return %arg0, %c0_i32 : i32, i32
  }
}

module attributes {stable_mosaic.version = 14 : i64} {
  func.func @_final_body(%arg0: memref<2x10240x128xf32, #tpu.memory_space<vmem>>, %arg1: memref<2x16x10240xf32, #tpu.memory_space<vmem>>, %arg2: memref<128x128xf32, #tpu.memory_space<vmem>>, %arg3: memref<1x128xf32, #tpu.memory_space<vmem>>, %arg4: memref<1x128xf32, #tpu.memory_space<vmem>>, %arg5: memref<1x128xf32, #tpu.memory_space<vmem>>, %arg6: memref<10000x128xf32, #tpu.memory_space<vmem>>) attributes {dimension_semantics = [], scalar_prefetch = 0 : i64, scratch_operands = 0 : i64, tpu.core_type = #tpu.core_type<tc>} {
    %get3A = arith.constant 0 : index
    %get3A_0 = arith.constant 0 : index
    %get3A_1 = arith.constant 0 : index
    %get3A_2 = vector.load %arg0[%get3A, %get3A_0, %get3A_1] : memref<2x10240x128xf32, #tpu.memory_space<vmem>>, vector<1x10000x128xf32>
    %get3A_3 = vector.shape_cast %get3A_2 : vector<1x10000x128xf32> to vector<10000x128xf32>
    %get3A_4 = arith.constant 1 : index
    %get3A_5 = arith.constant 0 : index
    %get3A_6 = arith.constant 0 : index
    %get3A_7 = vector.load %arg0[%get3A_4, %get3A_5, %get3A_6] : memref<2x10240x128xf32, #tpu.memory_space<vmem>>, vector<1x10000x128xf32>
    %get3A_8 = vector.shape_cast %get3A_7 : vector<1x10000x128xf32> to vector<10000x128xf32>
    %add3A = arith.addf %get3A_3, %get3A_8 : vector<10000x128xf32>
    %get3A_9 = arith.constant 0 : index
    %get3A_10 = arith.constant 0 : index
    %get3A_11 = arith.constant 0 : index
    %get3A_12 = vector.load %arg1[%get3A_9, %get3A_10, %get3A_11] : memref<2x16x10240xf32, #tpu.memory_space<vmem>>, vector<2x16x10240xf32>
    %reduce_sum3A = arith.constant dense<0.000000e+00> : vector<10240xf32>
    %reduce_sum3A_13 = vector.multi_reduction <add>, %get3A_12, %reduce_sum3A [0, 1] : vector<2x16x10240xf32> to vector<10240xf32>
    %slice3A = vector.extract_strided_slice %reduce_sum3A_13 {offsets = [0], sizes = [10000], strides = [1]} : vector<10240xf32> to vector<10000xf32>
    %reshape3A = vector.shape_cast %slice3A : vector<10000xf32> to vector<10000x1xf32>
    %get3A_14 = arith.constant 0 : index
    %get3A_15 = arith.constant 0 : index
    %get3A_16 = vector.load %arg2[%get3A_14, %get3A_15] : memref<128x128xf32, #tpu.memory_space<vmem>>, vector<128x128xf32>
    %dot_general3A = arith.constant dense<0.000000e+00> : vector<10000x128xf32>
    %dot_general3A_17 = tpu.matmul %add3A, %get3A_16, %dot_general3A {dimension_numbers = #tpu.dot_dimension_numbers<[1], [0], [0], [1], [0, 0, 1, 1], [], []>, transpose_lhs_hint = false} : vector<10000x128xf32>, vector<128x128xf32>, vector<10000x128xf32> -> vector<10000x128xf32>
    %get3A_18 = arith.constant 0 : index
    %get3A_19 = arith.constant 0 : index
    %get3A_20 = vector.load %arg3[%get3A_18, %get3A_19] : memref<1x128xf32, #tpu.memory_space<vmem>>, vector<1x128xf32>
    %mul3A = vector.broadcast %reshape3A : vector<10000x1xf32> to vector<10000x128xf32>
    %mul3A_21 = vector.broadcast %get3A_20 : vector<1x128xf32> to vector<10000x128xf32>
    %mul3A_22 = arith.mulf %mul3A, %mul3A_21 : vector<10000x128xf32>
    %add3A_23 = arith.addf %dot_general3A_17, %mul3A_22 : vector<10000x128xf32>
    %reduce_sum3A_24 = arith.constant dense<0.000000e+00> : vector<128xf32>
    %reduce_sum3A_25 = vector.multi_reduction <add>, %add3A_23, %reduce_sum3A_24 [0] : vector<10000x128xf32> to vector<128xf32>
    %broadcast_in_dim3A = vector.shape_cast %reduce_sum3A_25 : vector<128xf32> to vector<1x128xf32>
    %div3A = arith.constant 1.000000e+04 : f32
    %div3A_26 = vector.broadcast %div3A : f32 to vector<1x128xf32>
    %div3A_27 = arith.divf %broadcast_in_dim3A, %div3A_26 : vector<1x128xf32>
    %sub3A = vector.broadcast %div3A_27 : vector<1x128xf32> to vector<10000x128xf32>
    %sub3A_28 = arith.subf %add3A_23, %sub3A : vector<10000x128xf32>
    %integer_pow3A = arith.mulf %sub3A_28, %sub3A_28 : vector<10000x128xf32>
    %reduce_sum3A_29 = arith.constant dense<0.000000e+00> : vector<128xf32>
    %reduce_sum3A_30 = vector.multi_reduction <add>, %integer_pow3A, %reduce_sum3A_29 [0] : vector<10000x128xf32> to vector<128xf32>
    %broadcast_in_dim3A_31 = vector.shape_cast %reduce_sum3A_30 : vector<128xf32> to vector<1x128xf32>
    %div3A_32 = arith.constant 1.000000e+04 : f32
    %div3A_33 = vector.broadcast %div3A_32 : f32 to vector<1x128xf32>
    %div3A_34 = arith.divf %broadcast_in_dim3A_31, %div3A_33 : vector<1x128xf32>
    %sub3A_35 = vector.broadcast %div3A_27 : vector<1x128xf32> to vector<10000x128xf32>
    %sub3A_36 = arith.subf %add3A_23, %sub3A_35 : vector<10000x128xf32>
    %add3A_37 = arith.constant 9.99999974E-6 : f32
    %add3A_38 = vector.broadcast %add3A_37 : f32 to vector<1x128xf32>
    %add3A_39 = arith.addf %div3A_34, %add3A_38 : vector<1x128xf32>
    %rsqrt3A = math.rsqrt %add3A_39 : vector<1x128xf32>
    %mul3A_40 = vector.broadcast %rsqrt3A : vector<1x128xf32> to vector<10000x128xf32>
    %mul3A_41 = arith.mulf %sub3A_36, %mul3A_40 : vector<10000x128xf32>
    %get3A_42 = arith.constant 0 : index
    %get3A_43 = arith.constant 0 : index
    %get3A_44 = vector.load %arg4[%get3A_42, %get3A_43] : memref<1x128xf32, #tpu.memory_space<vmem>>, vector<1x128xf32>
    %mul3A_45 = vector.broadcast %get3A_44 : vector<1x128xf32> to vector<10000x128xf32>
    %mul3A_46 = arith.mulf %mul3A_41, %mul3A_45 : vector<10000x128xf32>
    %get3A_47 = arith.constant 0 : index
    %get3A_48 = arith.constant 0 : index
    %get3A_49 = vector.load %arg5[%get3A_47, %get3A_48] : memref<1x128xf32, #tpu.memory_space<vmem>>, vector<1x128xf32>
    %add3A_50 = vector.broadcast %get3A_49 : vector<1x128xf32> to vector<10000x128xf32>
    %add3A_51 = arith.addf %mul3A_46, %add3A_50 : vector<10000x128xf32>
    %max3A = arith.constant 0.000000e+00 : f32
    %max3A_52 = vector.broadcast %max3A : f32 to vector<10000x128xf32>
    %max3A_53 = arith.maximumf %add3A_51, %max3A_52 : vector<10000x128xf32>
    %swap3A = arith.constant 0 : index
    %swap3A_54 = arith.constant 0 : index
    %swap3A_55 = vector.load %arg6[%swap3A, %swap3A_54] : memref<10000x128xf32, #tpu.memory_space<vmem>>, vector<10000x128xf32>
    tpu.vector_store %arg6[%swap3A, %swap3A_54], %max3A_53 {strides = array<i32>} : memref<10000x128xf32, #tpu.memory_space<vmem>>, vector<10000x128xf32>,
    return
  }
}

</mosaic_0001>

<sc_bundles>
// kernel: kernel.6.cloned.1.call-start
scs
__scs_entry_jumppad:
0x0: {  	(pc) =	sbr.rel $0x88, $3  }
0x1: {  	(tag) =	ssettag $0x0;
	lr =	simm.s32 $0x1  }
0x2: {  	[smem:$0x3F98] =	sst lr;
	_ =	strace $0xD0000000  }
0x3: {  	_ = 	snop  }
0x4: {  	_ = 	snop  }
0x5: {  	_ = 	snop  }
0x6: {  	_ = 	snop  }
0x7: {  	_ = 	snop  }
__scs_overlays_trampoline_lowered:
0x8: {  	[smem:$0x3FA7] =	sst s0  }
0x9: {  	[smem:$0x3FA8] =	sst s1  }
0xa: {  	[smem:$0x3FA9] =	sst s2  }
0xb: {  	[smem:$0x3FAA] =	sst s3  }
0xc: {  	[smem:$0x3FAB] =	sst s4  }
0xd: {  	[smem:$0x3FAC] =	sst s5  }
0xe: {  	[smem:$0x3FAD] =	sst s6  }
0xf: {  	[smem:$0x3FAE] =	sst s7  }
0x10: {  	[smem:$0x3FAF] =	sst s8  }
0x11: {  	[smem:$0x3FB0] =	sst s9;
	s0 =	simm.s32 @!p0 $0x0  }
0x12: {  	s1 =	sld [smem:$0x3F96];
	s0 =	simm.s32 @p0 $0x1  }
0x13: {  	[smem:$0x3FB1] =	sst s0;
	s0 =	simm.s32 @!p1 $0x0  }
0x14: {  	s2 =	sld [smem:$0x3F95];
	s0 =	simm.s32 @p1 $0x1  }
0x15: {  	[smem:$0x3FB2] =	sst s0;
	s0 =	simm.s32 @!p2 $0x0  }
0x16: {  	s3 =	sld [smem:$0x3FDB];
	s0 =	simm.s32 @p2 $0x1  }
0x17: {  	s4 =	simm.s32 $0x1BF5;
	[smem:$0x3FB4] =	sst s0  }
0x18: {  	s0 =	sld [smem:$0x3F97];
	_ =	swait.ge [sflag:s4], $0x0  }
0x19: {  	s7 =	sld [smem:$0x3F98]  }
0x1a: {  	s8 =	sadd.s32 $0xFFFFE003, lr  }
0x1b: {  	s9 =	sadd.s32 $0xFFFFFEF7, lr;
	s5 =	simm.s32 $0xFFFFFFFF;
	p2 =	slt.u32 s8, $0xFFFFF086  }
0x1c: {  	p1 =	slt.u32 s9, $0xF7A;
	s5 =	simm.s32 @!p2 $0x0  }
0x1d: {  	s5 =	simm.s32 @p1 $0x1;
	p0 =	seq.s32 s7, s2  }
0x1e: {  	s7 =	smul.u32 @!p0 $0xF7A, s2;
	p2 =	seq.s32 @!p0 s5, $0x0  }
0x1f: {  	s9 =	smul.u32 $0xF7A, s1;
	s8 =	simm.s32 @!p0 $0x1BF5;
	p2 =	por !p2, p0  }
0x20: {  	[sflag:s8] =	ssyncset.s32 @!p0 $0xFFFFF086;
	s6 =	sadd.s32 @!p0 s3, s7;
	s7 =	simm.s32 @!p0 $0x108  }
0x21: {  	s3 =	sadd.s32 s3, s9;
	s6 =	sadd.s32 @!p0 $0x88, s6;
	s7 =	simm.s32 @p2 $0x1082  }
0x22: {  	[simem:s7], [sflag:s8] =	dma.local @!p0 [hbm:s6], $0xF7A  }
0x23: {  	s9 =	sor.u32 $0xD0000000, s2;
	s6 =	simm.s32 $0x108;
	_ =	swait.ge @!p0 [sflag:s8], $0x0  }
0x24: {  	s3 =	sadd.s32 $0x88, s3;
	s6 =	simm.s32 @!p1 $0x1082;
	[sflag:s4] =	ssyncset.s32 $0xFFFFF086  }
0x25: {  	[simem:s6], [sflag:s4] =	dma.local [hbm:s3], $0xF7A  }
0x26: {  	[smem:$0x3F98] =	sst s1;
	(tag) =	ssettag s2;
	_ =	strace s9  }
0x27: {  	s1 =	sld [smem:$0x3FA8]  }
0x28: {  	s2 =	sld [smem:$0x3FA9]  }
0x29: {  	s4 =	sld [smem:$0x3FAB]  }
0x2a: {  	p0 =	seq.s32 s5, $0x0;
	s5 =	sld [smem:$0x3FAC]  }
0x2b: {  	s6 =	sld [smem:$0x3FAD]  }
0x2c: {  	s7 =	sld [smem:$0x3FAE]  }
0x2d: {  	s3 =	simm.s32 $0x108;
	s8 =	sld [smem:$0x3FAF]  }
0x2e: {  	s3 =	simm.s32 @!p0 $0x1082;
	s9 =	sld [smem:$0x3FB0]  }
0x2f: {  	lr =	sadd.s32 s0, s3;
	s0 =	sld [smem:$0x3FA7]  }
0x30: {  	s3 =	sld [smem:$0x3FAA]  }
0x31: {  	[smem:$0x3FB3] =	sst s10  }
0x32: {  	s10 =	sld [smem:$0x3FB1];
	_ =	sdelay $0x3  }
0x33: {  	p0 =	seq.s32 s10, $0x1;
	s10 =	sld [smem:$0x3FB3];
	_ =	sdelay $0x3  }
0x34: {  	[smem:$0x3FB3] =	sst s10  }
0x35: {  	s10 =	sld [smem:$0x3FB2];
	_ =	sdelay $0x3  }
0x36: {  	p1 =	seq.s32 s10, $0x1;
	s10 =	sld [smem:$0x3FB3];
	_ =	sdelay $0x3  }
0x37: {  	[smem:$0x3FB3] =	sst s10  }
0x38: {  	s10 =	sld [smem:$0x3FB4]  }
0x39: {  	_ = 	snop;
	(pc) =	sbr.ind lr, $3  }
0x3a: {  	_ = 	snop  }
0x3b: {  	_ = 	snop  }
0x3c: {  	p2 =	seq.s32 s10, $0x1;
	s10 =	sld [smem:$0x3FB3]  }
0x3d: {  	_ =	shalt  }
0x3e: {  	_ =	shalt  }
0x3f: {  	_ =	shalt  }
0x40: {  	_ =	shalt  }
0x41: {  	_ =	shalt  }
0x42: {  	_ =	shalt  }
0x43: {  	_ =	shalt  }
0x44: {  	_ =	shalt  }
0x45: {  	_ =	shalt  }
0x46: {  	_ =	shalt  }
0x47: {  	_ =	shalt  }
0x48: {  	_ =	shalt  }
0x49: {  	_ =	shalt  }
0x4a: {  	_ =	shalt  }
0x4b: {  	_ =	shalt  }
0x4c: {  	_ =	shalt  }
0x4d: {  	_ =	shalt  }
0x4e: {  	_ =	shalt  }
0x4f: {  	_ =	shalt  }
0x50: {  	_ =	shalt  }
0x51: {  	_ =	shalt  }
0x52: {  	_ =	shalt  }
0x53: {  	_ =	shalt  }
0x54: {  	_ =	shalt  }
0x55: {  	_ =	shalt  }
0x56: {  	_ =	shalt  }
0x57: {  	_ =	shalt  }
0x58: {  	_ =	shalt  }
0x59: {  	_ =	shalt  }
0x5a: {  	_ =	shalt  }
0x5b: {  	_ =	shalt  }
0x5c: {  	_ =	shalt  }
0x5d: {  	_ =	shalt  }
0x5e: {  	_ =	shalt  }
0x5f: {  	_ =	shalt  }
0x60: {  	_ =	shalt  }
0x61: {  	_ =	shalt  }
0x62: {  	_ =	shalt  }
0x63: {  	_ =	shalt  }
0x64: {  	_ =	shalt  }
0x65: {  	_ =	shalt  }
0x66: {  	_ =	shalt  }
0x67: {  	_ =	shalt  }
0x68: {  	_ =	shalt  }
0x69: {  	_ =	shalt  }
0x6a: {  	_ =	shalt  }
0x6b: {  	_ =	shalt  }
0x6c: {  	_ =	shalt  }
0x6d: {  	_ =	shalt  }
0x6e: {  	_ =	shalt  }
0x6f: {  	_ =	shalt  }
0x70: {  	_ =	shalt  }
0x71: {  	_ =	shalt  }
0x72: {  	_ =	shalt  }
0x73: {  	_ =	shalt  }
0x74: {  	_ =	shalt  }
0x75: {  	_ =	shalt  }
0x76: {  	_ =	shalt  }
0x77: {  	_ =	shalt  }
0x78: {  	_ =	shalt  }
0x79: {  	_ =	shalt  }
0x7a: {  	_ =	shalt  }
0x7b: {  	_ =	shalt  }
0x7c: {  	_ =	shalt  }
0x7d: {  	_ =	shalt  }
0x7e: {  	_ =	shalt  }
0x7f: {  	_ =	shalt  }
0x80: {  	_ =	shalt  }
0x81: {  	_ =	shalt  }
0x82: {  	_ =	shalt  }
0x83: {  	_ =	shalt  }
0x84: {  	_ =	shalt  }
0x85: {  	_ =	shalt  }
0x86: {  	_ =	shalt  }
0x87: {  	_ =	shalt  }
.Lfunc_end0:
.L_simem_size_0:
called_computation_lowered:
.L_overlay_start_0:
0x88: {  	s2 =	sld [smem:$0x3FD9]  }
0x89: {  	s3 =	sld [smem:$0x3FFE];
	_ =	sdelay $0x1  }
0x8a: {  	s1 =	srdreg.scid  }
0x8b: {  	s0 =	sand.u32 $0x1, s1  }
0x8c: {  	s17 =	sshll.u32 s0, $0xA;
	s2 =	sadd.s32 s3, s2  }
0x8d: {  	s2 =	sadd.s32 s2, s17  }
0x8e: {  	[smem:$0x3FBF] =	sst s2  }
0x8f: {  	_ = 	snop  }
0x90: {  	s2 =	sld [smem:$0x3FD0];
	(tm) =	ssettm $0x1  }
0x91: {  	s18 =	sld [smem:$0x3FFB];
	_ =	sdelay $0x3  }
0x92: {  	_ =	strace s18  }
0x93: {  	s3 =	sld [smem:$0x3FFC];
	_ =	sdelay $0x3  }
0x94: {  	_ =	strace s3  }
0x95: {  	s3 =	sld [smem:$0x3FFD];
	_ =	sdelay $0x3  }
0x96: {  	_ =	strace s3  }
0x97: {  	_ =	strace $0x8FFFFFFF  }
0x98: {  	s19 =	sld [smem:$0x3FDB];
	_ =	sdelay $0x1  }
0x99: {  	s4 =	simm.s32 $_scs_section_size  }
0x9a: {  	s5 =	simm.s32 $_size__tile_overlayer_lowered;
	s6 =	simm.s32 $_tile_overlayer_lowered  }
0x9b: {  	s22 =	simm.s32 $0x1BFF;
	s21 =	sshll.u32 s6, $0x1;
	s3 =	sadd.s32 s4, s19  }
0x9c: {  	s7 =	simm.s32 $0x0;
	s20 =	sshll.u32 s5, $0x1;
	s5 =	sadd.s32 s21, s3  }
0x9d: {  	[timem:s7], [sflag:s22] =	dma.local [hbm:s5], s20  }
0x9e: {  	_ =	swait.ge [sflag:s22], s20  }
0x9f: {  	s4 =	ssub.s32 $0x0, s20;
	[sflag:s22] =	ssyncset.done $0x0  }
0xa0: {  	[sflag:s22] =	ssyncadd.s32 s4;
	_ =	sdelay $0x1  }
0xa1: {  	s23 =	simm.s32 $0x1B8B  }
0xa2: {  	_ =	swait.ge [sflag:s23], $0x1  }
0xa3: {  	[sflag:s23] =	ssyncset.done $0x0  }
0xa4: {  	s25 =	simm.s32 $0x1B8E;
	s24 =	sld [smem:$0x3FFE];
	[sflag:s23] =	ssyncadd.s32 $0xFFFFFFFF  }
0xa5: {  	s26 =	simm.s32 $execute0_lowered;
	[smem:$0x3FD2] =	sst s25  }
0xa6: {  	s5 =	sshll.u32 s26, $0x1;
	_ =	strace $0x80000046;
	[dreg:$0x1] =	wrdreg $0xFFFFFFFF  }
0xa7: {  	s28 =	simm.s32 $_size_execute0_lowered;
	s3 =	sadd.s32 s3, s5;
	[dreg:$0x0] =	wrdreg $0x0  }
0xa8: {  	s5 =	sshll.u32 s28, $0x1;
	[dreg:$0x2] =	wrdreg s3  }
0xa9: {  	[dreg:$0x3] =	wrdreg s5  }
0xaa: {  	[dreg:$0x4] =	wrdreg $0xC0  }
0xab: {  	_ =	task [dreg:s7], $0x5FFFF  }
0xac: {  	[dreg:$0x1] =	wrdreg $0xFFFFFFFF  }
0xad: {  	[dreg:$0x0] =	wrdreg $0x60  }
0xae: {  	[dreg:$0x2] =	wrdreg s2  }
0xaf: {  	[dreg:$0x3] =	wrdreg s24  }
0xb0: {  	[dreg:$0x4] =	wrdreg $0x0  }
0xb1: {  	[dreg:$0x5] =	wrdreg $0x9  }
0xb2: {  	_ =	task.clear_ibuf [dreg:s7], $0x6FFFF;
	_ =	strace $0x90000046  }
0xb3: {  	s29 =	simm.s32 $0x9;
	_ =	strace $0x80000048  }
0xb4: {  	_ =	swait.ge [sflag:s29], $0x1  }
0xb5: {  	[sflag:s29] =	ssyncadd.s32 $0xFFFFFFFF  }
0xb6: {  	_ =	strace $0x90000048  }
0xb7: {  	_ =	sfence  }
0xb8: {  	s30 =	sld [smem:$0x0];
	_ =	sdelay $0x2  }
0xb9: {  	s31 =	sshll.u32 s1, $0xD;
	s1 =	sshrl.u32 s1, $0x2  }
0xba: {  	s3 =	sand.u32 $0x4000, s31;
	s1 =	sadd.s32 s1, s30  }
0xbb: {  	s0 =	sor.u32 s3, s0;
	s1 =	sshll.u32 s1, $0x11  }
0xbc: {  	s0 =	sor.u32 s1, s0  }
0xbd: {  	s0 =	sadd.s32 $0x8F2B, s0  }
0xbe: {  	[sflag:s0] =	ssyncadd.remote.s32 $0x1  }
0xbf: {  	_ =	sfence.sel $0xFFFF  }
0xc0: {  	[dreg:$0x0] =	wrdreg $0xFFFFFFFF;
	(pc) =	sbr.abs _section_cstart, $3  }
0xc1: {  	[dreg:$0x1] =	wrdreg $0xFFFFFFFF  }
0xc2: {  	_ =	task.clear_ibuf [dreg:s7], $0x2FFFF;
	_ =	strace $0x9FFFFFFF  }
0xc3: {  	(tm) =	ssettm $0x7FFFFFFF  }
tec
execute0_lowered:
.L_overlay_start_1:
0x0: {  	(tag) =	ssettag $0x1  }
0x1: {  	s1 =	rddreg [dreg:$0x0]  }
0x2: {  	s0 =	rddreg [dreg:$0x1];
	s2 =	srdreg.scid  }
0x3: {  	s14 =	stileid.u32;
	s3 =	rddreg [dreg:$0x2]  }
0x4: {  	s4 =	simm.s32 $0x0;
	s28 =	simm.s32 $0x1AA00;
	s29 =	simm.s32 $0x1  }
0x5: {  	s30 =	simm.s32 $0x3;
	s31 =	simm.s32 $0x2;
	s9 =	smul.u32 $0x14000, s14  }
0x6: {  	s2 =	sand.u32 $0x1, s2;
	s5 =	sshll.u32 s14, $0x1;
	s26 =	smul.u32 $0x50000, s14  }
0x7: {  	[smem:$0x7FF] =	sst s4;
	s12 =	sshrl.u32 s14, $0x3;
	s11 =	smul.u32 $0x28000, s2  }
0x8: {  	s13 =	sshll.u32 s14, $0x7;
	_ =	strace $0x80000047;
	s12 =	smul.u32 $0x14000, s12  }
0x9: {  	s8 =	sor.u32 s2, s5;
	s7 =	smul.u32 $0x140000, s2;
	s5 =	sadd.s32 $0x4F7600, s0  }
0xa: {  	s25 =	sand.u32 $0x380, s13;
	s16 =	sshrl.u32 s26, $0x2;
	s11 =	sadd.s32 s11, s12  }
0xb: {  	s2 =	ssub.s32 $0x2, s2;
	s12 =	sor.u32 s25, s11;
	s11 =	sadd.s32 s16, s3  }
0xc: {  	s6 =	smul.u32 $0x27100, s8;
	s18 =	sadd.s32 $0x1400, s11;
	[dreg:$0x4] =	wrdreg s11  }
0xd: {  	s15 =	sshrl.u32 s2, $0x1;
	s19 =	sadd.s32 $0x2800, s11;
	[dreg:$0x5] =	wrdreg s18  }
0xe: {  	s9 =	sadd.s32 s9, s7;
	s20 =	sadd.s32 $0x3C00, s11;
	[dreg:$0x6] =	wrdreg s19  }
0xf: {  	s7 =	sadd.s32 $0x4E3A00, s0;
	s21 =	sadd.s32 $0x5000, s11;
	[dreg:$0x7] =	wrdreg s20  }
0x10: {  	s10 =	sadd.s32 s6, s0;
	s22 =	sadd.s32 $0x6400, s11;
	[dreg:$0x8] =	wrdreg s21  }
0x11: {  	s9 =	sshrl.u32 s9, $0x3;
	s23 =	sadd.s32 $0x7800, s11;
	[dreg:$0x9] =	wrdreg s22  }
0x12: {  	s14 =	sadd.s32 s9, s0;
	s24 =	sadd.s32 $0x8C00, s11;
	[dreg:$0xa] =	wrdreg s23  }
0x13: {  	s9 =	sshrl.u32 s12, $0x3;
	s12 =	sadd.s32 $0xA000, s11;
	[dreg:$0xb] =	wrdreg s24  }
0x14: {  	s2 =	ssub.s32 s2, s15;
	s10 =	sadd.s32 $0x51E800, s10;
	[dreg:$0xc] =	wrdreg s12  }
0x15: {  	s6 =	sadd.s32 $0x4ED800, s0;
	[dreg:$0xe] =	wrdreg s10;
	s15 =	sadd.s32 $0x1A00, s14  }
0x16: {  	s17 =	sadd.s32 s9, s0;
	s18 =	sadd.s32 $0xB400, s11;
	[dreg:$0x10] =	wrdreg s15  }
0x17: {  	s9 =	smul.u32 $0x2710, s8;
	s19 =	sadd.s32 $0xC800, s11;
	[dreg:$0x13] =	wrdreg s18  }
0x18: {  	s21 =	sadd.s32 $0x51EA80, s0;
	s20 =	sadd.s32 $0xDC00, s11;
	[dreg:$0x14] =	wrdreg s19  }
0x19: {  	s22 =	sadd.s32 $0x51ED00, s0;
	s23 =	sadd.s32 $0xF000, s11;
	[dreg:$0x15] =	wrdreg s20  }
0x1a: {  	s24 =	sadd.s32 $0x10400, s11;
	s12 =	simm.s32 $0x5;
	[dreg:$0x16] =	wrdreg s23  }
0x1b: {  	s16 =	sadd.s32 $0x51A00, s17;
	s17 =	smax.u32 s2, $0x1;
	[dreg:$0x17] =	wrdreg s24  }
0x1c: {  	s15 =	simm.s32 $0x1BE00;
	s23 =	simm.s32 $0x14500;
	s24 =	simm.s32 $0x18200  }
0x1d: {  	s2 =	simm.s32 $0x0;
	s25 =	sshrl.u32 s9, $0x3;
	[dreg:$0x11] =	wrdreg s16  }
.Ltmp0:
0x1e: {  	[dreg:$0x12] =	wrdreg s17;
	s26 =	sadd.s32 s7, s25;
	(pc) =	sbr.rel .LBB2_1-.Ltmp0, $4  }
0x1f: {  	s10 =	sadd.s32 $0x190, s9;
	s8 =	sadd.s32 s6, s25;
	[dreg:$0xd] =	wrdreg s26  }
0x20: {  	s16 =	simm.s32 $0x28;
	s25 =	sadd.s32 $0x11800, s11;
	[dreg:$0xf] =	wrdreg s8  }
0x21: {  	s17 =	simm.s32 $0x14400;
	[dreg:$0x18] =	wrdreg s25;
	s26 =	sadd.s32 $0x12C00, s11  }
0x22: {  	v0 =	vimm.f32 $0.0e+00;
	v1 =	vimm.f32 $1.000000000e+00;
	s11 =	simm.s32 $0x14600;
	[dreg:$0x19] =	wrdreg s26;
	s26 =	simm.s32 $0x19600  }
.LBB2_15:
0x23: {  	_ =	swait.ge [sflag:s30], $0x1400  }
0x24: {  	[sflag:s30] =	ssyncset.done $0x0  }
0x25: {  	s0 =	simm.s32 $0x4;
	[sflag:s30] =	ssyncadd.s32 $0xFFFFEC00  }
0x26: {  	_ =	swait.ge [sflag:s0], $0x1400  }
0x27: {  	[sflag:s0] =	ssyncset.done $0x0  }
0x28: {  	[sflag:s0] =	ssyncadd.s32 $0xFFFFEC00  }
0x29: {  	s13 =	stileid.u32;
	[bflag:$0x0] =	sbarrier.arrive $0xFFFF  }
0x2a: {  	s0 =	sshll.u32 s13, $0x6;
	s2 =	rddreg [dreg:$0x4]  }
0x2b: {  	s0 =	sor.u32 $0x1C05, s0;
	s8 =	rddreg [dreg:$0x10];
	s2 =	sshrl.u32 s2, $0x3  }
0x2c: {  	[hbm:s8], [sflag:s0] =	dma.local [spmem:s2], $0x2800  }
0x2d: {  	_ =	swait.ge [sflag:s12], $0x2800  }
0x2e: {  	s18 =	simm.s32 $0x80;
	[sflag:s12] =	ssyncset.done $0x0  }
0x2f: {  	s19 =	simm.s32 $0x400;
	s14 =	rddreg [dreg:$0x11];
	[sflag:s12] =	ssyncadd.s32 $0xFFFFD800  }
0x30: {  	[hbm4b:s14+s18] =	stream.strided.scatter [tilespmem:s15], [sflag:$0x5], $0x2800, s19, s18, $0x38;
	[tilespmem:$0x1E600] =	vst v63  }
0x31: {  	_ =	swait.ge [sflag:s12], $0x2800  }
0x32: {  	s20 =	rddreg [dreg:$0x1a]  }
0x33: {  	s25 =	rddreg [dreg:$0x12];
	s2 =	sadd.s32 $0x1, s20  }
0x34: {  	p0 =	sne.s32 s2, s25  }
.Ltmp1:
0x35: {  	_ = 	snop;
	(pc) =	sbr.rel @!p0 .LBB2_16-.Ltmp1, $3  }
0x36: {  	_ =	sdelay $0x1  }
0x37: {  	[sflag:s12] =	ssyncset.done $0x0  }
0x38: {  	[sflag:s12] =	ssyncadd.s32 $0xFFFFD800  }
.LBB2_1:
0x39: {  	[dreg:$0x1a] =	wrdreg s2;
	s0 =	simm.s32 $0x0;
	s2 =	simm.s32 $0x200  }
.LBB2_2:
0x3a: {  	p0 =	sne.s32 s2, $0x4E00;
	[tilespmem:s0+$0x14670] =	vst v0  }
0x3b: {  	[tilespmem:s0+$0x14600] =	vst v0  }
0x3c: {  	[tilespmem:s0+$0x14610] =	vst v0  }
.Ltmp2:
0x3d: {  	[tilespmem:s0+$0x14620] =	vst v0;
	(pc) =	sbr.rel @p0 .LBB2_2-.Ltmp2, $4  }
0x3e: {  	[tilespmem:s0+$0x14630] =	vst v0  }
0x3f: {  	[tilespmem:s0+$0x14640] =	vst v0  }
0x40: {  	[tilespmem:s0+$0x14650] =	vst v0  }
0x41: {  	[tilespmem:s0+$0x14660] =	vst v0;
	s0 =	sshra.s32 s2, $0x2;
	s2 =	sadd.s32 $0x200, s2  }
0x42: {  	[tilespmem:s0+$0x14670] =	vst v0  }
0x43: {  	[tilespmem:s0+$0x14600] =	vst v0  }
0x44: {  	[tilespmem:s0+$0x14610] =	vst v0  }
0x45: {  	[tilespmem:s0+$0x14620] =	vst v0  }
0x46: {  	[tilespmem:s0+$0x14630] =	vst v0  }
0x47: {  	[tilespmem:s0+$0x14640] =	vst v0  }
0x48: {  	[tilespmem:s0+$0x14650] =	vst v0  }
0x49: {  	[tilespmem:s0+$0x14660] =	vst v0;
	s2 =	rddreg [dreg:$0x4]  }
0x4a: {  	[spmem:s2] =	stream.linear.scatter [tilespmem:s11], [sflag:$0x5], $0x1400, $0x38;
	[tilespmem:$0x1E600] =	vst v63  }
0x4b: {  	_ =	swait.ge [sflag:s12], $0x1400  }
0x4c: {  	[sflag:s12] =	ssyncset.done $0x0  }
0x4d: {  	s8 =	rddreg [dreg:$0x5];
	[sflag:s12] =	ssyncadd.s32 $0xFFFFEC00  }
0x4e: {  	[spmem:s8] =	stream.linear.scatter [tilespmem:s11], [sflag:$0x5], $0x1400, $0x38;
	[tilespmem:$0x1E600] =	vst v63  }
0x4f: {  	_ =	swait.ge [sflag:s12], $0x1400  }
0x50: {  	[sflag:s12] =	ssyncset.done $0x0  }
0x51: {  	s13 =	rddreg [dreg:$0x6];
	[sflag:s12] =	ssyncadd.s32 $0xFFFFEC00  }
0x52: {  	[spmem:s13] =	stream.linear.scatter [tilespmem:s11], [sflag:$0x5], $0x1400, $0x38;
	[tilespmem:$0x1E600] =	vst v63  }
0x53: {  	_ =	swait.ge [sflag:s12], $0x1400  }
0x54: {  	[sflag:s12] =	ssyncset.done $0x0  }
0x55: {  	s14 =	rddreg [dreg:$0x7];
	[sflag:s12] =	ssyncadd.s32 $0xFFFFEC00  }
0x56: {  	[spmem:s14] =	stream.linear.scatter [tilespmem:s11], [sflag:$0x5], $0x1400, $0x38;
	[tilespmem:$0x1E600] =	vst v63  }
0x57: {  	_ =	swait.ge [sflag:s12], $0x1400  }
0x58: {  	[sflag:s12] =	ssyncset.done $0x0  }
0x59: {  	s18 =	rddreg [dreg:$0x8];
	[sflag:s12] =	ssyncadd.s32 $0xFFFFEC00  }
0x5a: {  	[spmem:s18] =	stream.linear.scatter [tilespmem:s11], [sflag:$0x5], $0x1400, $0x38;
	[tilespmem:$0x1E600] =	vst v63  }
0x5b: {  	_ =	swait.ge [sflag:s12], $0x1400  }
0x5c: {  	[sflag:s12] =	ssyncset.done $0x0  }
0x5d: {  	s19 =	rddreg [dreg:$0x9];
	[sflag:s12] =	ssyncadd.s32 $0xFFFFEC00  }
0x5e: {  	[spmem:s19] =	stream.linear.scatter [tilespmem:s11], [sflag:$0x5], $0x1400, $0x38;
	[tilespmem:$0x1E600] =	vst v63  }
0x5f: {  	_ =	swait.ge [sflag:s12], $0x1400  }
0x60: {  	[sflag:s12] =	ssyncset.done $0x0  }
0x61: {  	s20 =	rddreg [dreg:$0xa];
	[sflag:s12] =	ssyncadd.s32 $0xFFFFEC00  }
0x62: {  	[spmem:s20] =	stream.linear.scatter [tilespmem:s11], [sflag:$0x5], $0x1400, $0x38;
	[tilespmem:$0x1E600] =	vst v63  }
0x63: {  	_ =	swait.ge [sflag:s12], $0x1400  }
0x64: {  	[sflag:s12] =	ssyncset.done $0x0  }
0x65: {  	s25 =	rddreg [dreg:$0xb];
	[sflag:s12] =	ssyncadd.s32 $0xFFFFEC00  }
0x66: {  	[spmem:s25] =	stream.linear.scatter [tilespmem:s11], [sflag:$0x5], $0x1400, $0x38;
	[tilespmem:$0x1E600] =	vst v63  }
0x67: {  	_ =	swait.ge [sflag:s12], $0x1400  }
0x68: {  	[sflag:s12] =	ssyncset.done $0x0  }
0x69: {  	s2 =	rddreg [dreg:$0xc];
	[sflag:s12] =	ssyncadd.s32 $0xFFFFEC00  }
0x6a: {  	[spmem:s2] =	stream.linear.scatter [tilespmem:s11], [sflag:$0x5], $0x1400, $0x38;
	[tilespmem:$0x1E600] =	vst v63  }
0x6b: {  	_ =	swait.ge [sflag:s12], $0x1400  }
0x6c: {  	[sflag:s12] =	ssyncset.done $0x0  }
0x6d: {  	s8 =	rddreg [dreg:$0x13];
	[sflag:s12] =	ssyncadd.s32 $0xFFFFEC00  }
0x6e: {  	[spmem:s8] =	stream.linear.scatter [tilespmem:s11], [sflag:$0x5], $0x1400, $0x38;
	[tilespmem:$0x1E600] =	vst v63  }
0x6f: {  	_ =	swait.ge [sflag:s12], $0x1400  }
0x70: {  	[sflag:s12] =	ssyncset.done $0x0  }
0x71: {  	s13 =	rddreg [dreg:$0x14];
	[sflag:s12] =	ssyncadd.s32 $0xFFFFEC00  }
0x72: {  	[spmem:s13] =	stream.linear.scatter [tilespmem:s11], [sflag:$0x5], $0x1400, $0x38;
	[tilespmem:$0x1E600] =	vst v63  }
0x73: {  	_ =	swait.ge [sflag:s12], $0x1400  }
0x74: {  	[sflag:s12] =	ssyncset.done $0x0  }
0x75: {  	s14 =	rddreg [dreg:$0x15];
	[sflag:s12] =	ssyncadd.s32 $0xFFFFEC00  }
0x76: {  	[spmem:s14] =	stream.linear.scatter [tilespmem:s11], [sflag:$0x5], $0x1400, $0x38;
	[tilespmem:$0x1E600] =	vst v63  }
0x77: {  	_ =	swait.ge [sflag:s12], $0x1400  }
0x78: {  	[sflag:s12] =	ssyncset.done $0x0  }
0x79: {  	s18 =	rddreg [dreg:$0x16];
	[sflag:s12] =	ssyncadd.s32 $0xFFFFEC00  }
0x7a: {  	[spmem:s18] =	stream.linear.scatter [tilespmem:s11], [sflag:$0x5], $0x1400, $0x38;
	[tilespmem:$0x1E600] =	vst v63  }
0x7b: {  	_ =	swait.ge [sflag:s12], $0x1400  }
0x7c: {  	[sflag:s12] =	ssyncset.done $0x0  }
0x7d: {  	s19 =	rddreg [dreg:$0x17];
	[sflag:s12] =	ssyncadd.s32 $0xFFFFEC00  }
0x7e: {  	[spmem:s19] =	stream.linear.scatter [tilespmem:s11], [sflag:$0x5], $0x1400, $0x38;
	[tilespmem:$0x1E600] =	vst v63  }
0x7f: {  	_ =	swait.ge [sflag:s12], $0x1400  }
0x80: {  	[sflag:s12] =	ssyncset.done $0x0  }
0x81: {  	s20 =	rddreg [dreg:$0x18];
	[sflag:s12] =	ssyncadd.s32 $0xFFFFEC00  }
0x82: {  	[spmem:s20] =	stream.linear.scatter [tilespmem:s11], [sflag:$0x5], $0x1400, $0x38;
	[tilespmem:$0x1E600] =	vst v63  }
0x83: {  	_ =	swait.ge [sflag:s12], $0x1400  }
0x84: {  	[sflag:s12] =	ssyncset.done $0x0  }
0x85: {  	s25 =	rddreg [dreg:$0x19];
	[sflag:s12] =	ssyncadd.s32 $0xFFFFEC00  }
0x86: {  	[spmem:s25] =	stream.linear.scatter [tilespmem:s11], [sflag:$0x5], $0x1400, $0x38;
	[tilespmem:$0x1E600] =	vst v63  }
0x87: {  	_ =	swait.ge [sflag:s12], $0x1400  }
0x88: {  	[sflag:s12] =	ssyncset.done $0x0  }
0x89: {  	s0 =	simm.s32 $0x40;
	s2 =	simm.s32 $0x0;
	[sflag:s12] =	ssyncadd.s32 $0xFFFFEC00  }
.LBB2_4:
0x8a: {  	p0 =	sne.s32 s0, $0x9FC0;
	[tilespmem:s2+$0x1BE00] =	vst v0;
	s2 =	smov.u32 s0;
	s0 =	sadd.s32 $0x40, s0  }
.Ltmp3:
0x8b: {  	(pc) =	sbr.rel @p0 .LBB2_4-.Ltmp3, $2  }
0x8c: {  	_ =	sdelay $0x2  }
0x8d: {  	s2 =	sshra.s32 s2, $0x2  }
0x8e: {  	[tilespmem:s2+$0x1BE00] =	vst v0  }
0x8f: {  	[bflag:$0x0] =	sbarrier.arrive $0xFFFF  }
0x90: {  	s2 =	simm.s32 $0x0;
	s8 =	simm.s32 $0x14000;
	s0 =	rddreg [dreg:$0xd]  }
0x91: {  	[tilespmem:s8], [sflag:$0x5] =	stream.linear.gather [hbm4b:s0+s2], $0x190, $0x38;
	[tilespmem:$0x1E600] =	vst v63  }
0x92: {  	_ =	swait.ge [sflag:s12], $0x190  }
0x93: {  	[sflag:s12] =	ssyncset.done $0x0  }
0x94: {  	s14 =	simm.s32 $0x14200;
	s13 =	rddreg [dreg:$0xf];
	[sflag:s12] =	ssyncadd.s32 $0xFFFFFE70  }
0x95: {  	[tilespmem:s14], [sflag:$0x5] =	stream.linear.gather [hbm4b:s13+s2], $0x190, $0x38;
	[tilespmem:$0x1E600] =	vst v63  }
0x96: {  	_ =	swait.ge [sflag:s12], $0x190  }
0x97: {  	[sflag:s12] =	ssyncset.done $0x0  }
0x98: {  	[sflag:s12] =	ssyncadd.s32 $0xFFFFFE70  }
0x99: {  	v2 =	vld [tilespmem:$0x14000];
	_ =	sdelay $0x7  }
0x9a: {  	[tilespmem:v2+s15+$0x0] =	vst.idx.add.f32.msk $0xffff, v1  }
0x9b: {  	v2 =	vld [tilespmem:$0x14010];
	_ =	sdelay $0x7  }
0x9c: {  	[tilespmem:v2+s15+$0x0] =	vst.idx.add.f32.msk $0xffff, v1  }
0x9d: {  	v2 =	vld [tilespmem:$0x14020];
	_ =	sdelay $0x7  }
0x9e: {  	[tilespmem:v2+s15+$0x0] =	vst.idx.add.f32.msk $0xffff, v1  }
0x9f: {  	v2 =	vld [tilespmem:$0x14030];
	_ =	sdelay $0x7  }
0xa0: {  	[tilespmem:v2+s15+$0x0] =	vst.idx.add.f32.msk $0xffff, v1  }
0xa1: {  	v2 =	vld [tilespmem:$0x14040];
	_ =	sdelay $0x7  }
0xa2: {  	[tilespmem:v2+s15+$0x0] =	vst.idx.add.f32.msk $0xffff, v1  }
0xa3: {  	v2 =	vld [tilespmem:$0x14050];
	_ =	sdelay $0x7  }
0xa4: {  	[tilespmem:v2+s15+$0x0] =	vst.idx.add.f32.msk $0xffff, v1  }
0xa5: {  	v2 =	vld [tilespmem:$0x14060];
	_ =	sdelay $0x7  }
0xa6: {  	[tilespmem:v2+s15+$0x0] =	vst.idx.add.f32.msk $0xffff, v1  }
0xa7: {  	v2 =	vld [tilespmem:$0x14070];
	_ =	sdelay $0x7  }
0xa8: {  	[tilespmem:v2+s15+$0x0] =	vst.idx.add.f32.msk $0xffff, v1  }
0xa9: {  	v2 =	vld [tilespmem:$0x14080];
	_ =	sdelay $0x7  }
0xaa: {  	[tilespmem:v2+s15+$0x0] =	vst.idx.add.f32.msk $0xffff, v1  }
0xab: {  	v2 =	vld [tilespmem:$0x14090];
	_ =	sdelay $0x7  }
0xac: {  	[tilespmem:v2+s15+$0x0] =	vst.idx.add.f32.msk $0xffff, v1  }
0xad: {  	v2 =	vld [tilespmem:$0x140A0];
	_ =	sdelay $0x7  }
0xae: {  	[tilespmem:v2+s15+$0x0] =	vst.idx.add.f32.msk $0xffff, v1  }
0xaf: {  	v2 =	vld [tilespmem:$0x140B0];
	_ =	sdelay $0x7  }
0xb0: {  	[tilespmem:v2+s15+$0x0] =	vst.idx.add.f32.msk $0xffff, v1  }
0xb1: {  	v2 =	vld [tilespmem:$0x140C0];
	_ =	sdelay $0x7  }
0xb2: {  	[tilespmem:v2+s15+$0x0] =	vst.idx.add.f32.msk $0xffff, v1  }
0xb3: {  	v2 =	vld [tilespmem:$0x140D0];
	_ =	sdelay $0x7  }
0xb4: {  	[tilespmem:v2+s15+$0x0] =	vst.idx.add.f32.msk $0xffff, v1  }
0xb5: {  	v2 =	vld [tilespmem:$0x140E0];
	_ =	sdelay $0x7  }
0xb6: {  	[tilespmem:v2+s15+$0x0] =	vst.idx.add.f32.msk $0xffff, v1  }
0xb7: {  	v2 =	vld [tilespmem:$0x140F0];
	_ =	sdelay $0x7  }
0xb8: {  	[tilespmem:v2+s15+$0x0] =	vst.idx.add.f32.msk $0xffff, v1  }
0xb9: {  	v2 =	vld [tilespmem:$0x14100];
	_ =	sdelay $0x7  }
0xba: {  	[tilespmem:v2+s15+$0x0] =	vst.idx.add.f32.msk $0xffff, v1  }
0xbb: {  	v2 =	vld [tilespmem:$0x14110];
	_ =	sdelay $0x7  }
0xbc: {  	[tilespmem:v2+s15+$0x0] =	vst.idx.add.f32.msk $0xffff, v1  }
0xbd: {  	v2 =	vld [tilespmem:$0x14120];
	_ =	sdelay $0x7  }
0xbe: {  	[tilespmem:v2+s15+$0x0] =	vst.idx.add.f32.msk $0xffff, v1  }
0xbf: {  	v2 =	vld [tilespmem:$0x14130];
	_ =	sdelay $0x7  }
0xc0: {  	[tilespmem:v2+s15+$0x0] =	vst.idx.add.f32.msk $0xffff, v1  }
0xc1: {  	v2 =	vld [tilespmem:$0x14140];
	_ =	sdelay $0x7  }
0xc2: {  	[tilespmem:v2+s15+$0x0] =	vst.idx.add.f32.msk $0xffff, v1  }
0xc3: {  	v2 =	vld [tilespmem:$0x14150];
	_ =	sdelay $0x7  }
0xc4: {  	[tilespmem:v2+s15+$0x0] =	vst.idx.add.f32.msk $0xffff, v1  }
0xc5: {  	v2 =	vld [tilespmem:$0x14160];
	_ =	sdelay $0x7  }
0xc6: {  	[tilespmem:v2+s15+$0x0] =	vst.idx.add.f32.msk $0xffff, v1  }
0xc7: {  	v2 =	vld [tilespmem:$0x14170];
	_ =	sdelay $0x7  }
0xc8: {  	[tilespmem:v2+s15+$0x0] =	vst.idx.add.f32.msk $0xffff, v1  }
0xc9: {  	v2 =	vld [tilespmem:$0x14180];
	_ =	sdelay $0x7  }
0xca: {  	[tilespmem:v2+s15+$0x0] =	vst.idx.add.f32.msk $0xffff, v1  }
0xcb: {  	v2 =	vld [tilespmem:$0x14000]  }
0xcc: {  	v3 =	vld [tilespmem:$0x14010]  }
0xcd: {  	v5 =	vld [tilespmem:$0x14200]  }
0xce: {  	v6 =	vld [tilespmem:$0x14210]  }
0xcf: {  	v4 =	vld [tilespmem:$0x14018]  }
0xd0: {  	[tilespmem:$0x14400] =	vst v2;
	v2 =	vld [tilespmem:$0x14218]  }
0xd1: {  	[tilespmem:$0x14410] =	vst v3  }
0xd2: {  	[tilespmem:$0x14480] =	vst v5  }
0xd3: {  	[tilespmem:$0x14490] =	vst v6  }
0xd4: {  	[tilespmem:$0x14418] =	vst v4  }
0xd5: {  	[tilespmem:$0x14498] =	vst v2  }
0xd6: {  	[tilespmem:s11], [sflag:$0x1] =	stream.indirect.gather [hbm4b:s1+s16], $0x80, s17, s16, $0xb8;
	[tilespmem:$0x1E600] =	vst v63  }
0xd7: {  	s18 =	simm.s32 $0x14480;
	s19 =	simm.s32 $0x15A00  }
0xd8: {  	[tilespmem:s19], [sflag:$0x1] =	stream.indirect.gather [hbm4b:s5+s16], $0x80, s18, s16, $0xb8;
	[tilespmem:$0x1E600] =	vst v63  }
0xd9: {  	s25 =	simm.s32 $0x16E00;
	s8 =	simm.s32 $0x0;
	s20 =	rddreg [dreg:$0xe]  }
0xda: {  	[tilespmem:s25], [sflag:$0x1] =	stream.linear.gather [hbm4b:s20+s2], $0x1400, $0x38;
	[tilespmem:$0x1E600] =	vst v63  }
.LBB2_6:
0xdb: {  	s0 =	smul.u32 $0xCD, s8;
	_ =	sdelay $0x1  }
0xdc: {  	s0 =	sshrl.u32 s0, $0xA  }
0xdd: {  	s0 =	sand.u32 $0x3F, s0  }
0xde: {  	s0 =	smul.u32 $0x5, s0  }
0xdf: {  	p0 =	seq.s32 s8, $0x0  }
0xe0: {  	s14 =	simm.s32 @!p0 $0x4;
	s18 =	ssub.s32 s8, s0  }
0xe1: {  	_ =	swait.ge @!p0 [sflag:s14], $0x1400;
	s0 =	sand.u32 $0xFF, s18  }
0xe2: {  	[sflag:s14] =	ssyncset.done @!p0 $0x0;
	s13 =	smul.u32 $0x50, s0  }
0xe3: {  	[sflag:s14] =	ssyncadd.s32 @!p0 $0xFFFFEC00  }
0xe4: {  	v2 =	vld [tilespmem:s13+$0x14028];
	_ =	sdelay $0x4  }
0xe5: {  	[tilespmem:$0x14500] =	vst v2  }
0xe6: {  	v2 =	vld [tilespmem:s13+$0x14038];
	_ =	sdelay $0x4  }
0xe7: {  	[tilespmem:$0x14510] =	vst v2  }
0xe8: {  	v2 =	vld [tilespmem:s13+$0x14040];
	_ =	sdelay $0x4  }
0xe9: {  	[tilespmem:$0x14518] =	vst v2  }
0xea: {  	v2 =	vld [tilespmem:s13+$0x14228];
	_ =	sdelay $0x4  }
0xeb: {  	[tilespmem:$0x14580] =	vst v2  }
0xec: {  	v2 =	vld [tilespmem:s13+$0x14238];
	_ =	sdelay $0x4  }
0xed: {  	[tilespmem:$0x14590] =	vst v2  }
0xee: {  	v2 =	vld [tilespmem:s13+$0x14240];
	_ =	sdelay $0x2  }
0xef: {  	s20 =	smul.u32 $0x50, s8;
	_ =	sdelay $0x1  }
0xf0: {  	s14 =	sadd.s32 s9, s20;
	[tilespmem:$0x14598] =	vst v2  }
0xf1: {  	[tilespmem:s24], [sflag:$0x2] =	stream.indirect.gather [hbm4b:s1+s16], $0x80, s23, s16, $0xb8;
	[tilespmem:$0x1E600] =	vst v63  }
0xf2: {  	s19 =	simm.s32 $0x14580;
	s14 =	sshll.u32 s14, $0x4  }
0xf3: {  	[tilespmem:s26], [sflag:$0x2] =	stream.indirect.gather [hbm4b:s5+s16], $0x80, s19, s16, $0xb8;
	[tilespmem:$0x1E600] =	vst v63  }
0xf4: {  	s25 =	sadd.s32 s14, s21  }
0xf5: {  	[tilespmem:s28], [sflag:$0x2] =	stream.linear.gather [hbm4b:s25+s2], $0x1400, $0x38;
	[tilespmem:$0x1E600] =	vst v63  }
0xf6: {  	_ =	swait.ge [sflag:s29], $0x1400  }
0xf7: {  	[sflag:s29] =	ssyncset.done $0x0  }
0xf8: {  	[sflag:s29] =	ssyncadd.s32 $0xFFFFEC00  }
0xf9: {  	_ =	swait.ge [sflag:s29], $0x1400  }
0xfa: {  	[sflag:s29] =	ssyncset.done $0x0  }
0xfb: {  	[sflag:s29] =	ssyncadd.s32 $0xFFFFEC00  }
0xfc: {  	_ =	swait.ge [sflag:s29], $0x1400  }
0xfd: {  	[sflag:s29] =	ssyncset.done $0x0  }
0xfe: {  	s19 =	simm.s32 $0x0;
	[sflag:s29] =	ssyncadd.s32 $0xFFFFEC00  }
0xff: {  	v10 =	vld [tilespmem:s19+$0x16E00]  }
0x100: {  	v11 =	vld [tilespmem:s19+$0x16E10]  }
0x101: {  	v3 =	vld [tilespmem:s19+$0x16E20]  }
0x102: {  	v2 =	vld [tilespmem:s19+$0x16E30]  }
0x103: {  	v12 =	vld [tilespmem:s19+$0x15A00]  }
0x104: {  	v15 =	vld [tilespmem:s19+$0x15A40]  }
0x105: {  	v9 =	vld [tilespmem:s19+$0x15A10]  }
0x106: {  	v8 =	vld [tilespmem:s19+$0x15A50]  }
0x107: {  	v7 =	vld [tilespmem:s19+$0x15A20]  }
0x108: {  	v6 =	vld [tilespmem:s19+$0x15A60]  }
0x109: {  	v5 =	vld [tilespmem:s19+$0x15A30]  }
0x10a: {  	v4 =	vld [tilespmem:s19+$0x15A70]  }
0x10b: {  	v16 =	vld [tilespmem:s19+$0x14600]  }
0x10c: {  	v20 =	vld [tilespmem:s19+$0x14640]  }
0x10d: {  	v17 =	vld [tilespmem:s19+$0x14610]  }
0x10e: {  	v14 =	vld [tilespmem:s19+$0x14650]  }
0x10f: {  	v13 =	vld [tilespmem:s19+$0x14620];
	v19 =	vshll.u32 v10, $0x10  }
0x110: {  	v18 =	vand.u32 $0xFFFF0000, v10;
	v21 =	vadd.f32 v12, v16;
	v16 =	vshll.u32 v11, $0x10;
	v12 =	vld [tilespmem:s19+$0x14660]  }
0x111: {  	s20 =	simm.s32 $0x200;
	v20 =	vadd.f32 v15, v20;
	v15 =	vand.u32 $0xFFFF0000, v11;
	v10 =	vshll.u32 v3, $0x10;
	v11 =	vld [tilespmem:s19+$0x14630]  }
.LBB2_7:
0x112: {  	s25 =	sshra.s32 s20, $0x2;
	p0 =	sne.s32 s20, $0x4E00;
	v19 =	vadd.f32 v19, v21;
	v9 =	vadd.f32 v9, v17;
	v17 =	vand.u32 $0xFFFF0000, v3;
	v21 =	vld [tilespmem:s19+$0x14670]  }
0x113: {  	v22 =	vld [tilespmem:s25+$0x16E00];
	v18 =	vadd.f32 v18, v20;
	v8 =	vadd.f32 v8, v14;
	v14 =	vshll.u32 v2, $0x10  }
0x114: {  	v23 =	vld [tilespmem:s25+$0x16E10];
	v19 =	vmax.f32 v19, $0.0e+00;
	v9 =	vadd.f32 v16, v9;
	v7 =	vadd.f32 v7, v13  }
0x115: {  	v3 =	vld [tilespmem:s25+$0x16E20];
	[tilespmem:s19+$0x14600] =	vst v19;
	v13 =	vmax.f32 v18, $0.0e+00;
	v8 =	vadd.f32 v15, v8;
	v6 =	vadd.f32 v6, v12  }
0x116: {  	v12 =	vld [tilespmem:s25+$0x16E30];
	[tilespmem:s19+$0x14640] =	vst v13;
	v9 =	vmax.f32 v9, $0.0e+00;
	v7 =	vadd.f32 v10, v7;
	v5 =	vadd.f32 v5, v11  }
0x117: {  	v10 =	vld [tilespmem:s25+$0x15A00];
	[tilespmem:s19+$0x14610] =	vst v9;
	v8 =	vmax.f32 v8, $0.0e+00;
	v6 =	vadd.f32 v17, v6;
	v4 =	vadd.f32 v4, v21  }
0x118: {  	v2 =	vand.u32 $0xFFFF0000, v2;
	v11 =	vld [tilespmem:s25+$0x15A40];
	[tilespmem:s19+$0x14650] =	vst v8;
	v7 =	vmax.f32 v7, $0.0e+00;
	v5 =	vadd.f32 v14, v5  }
0x119: {  	v9 =	vld [tilespmem:s25+$0x15A10];
	[tilespmem:s19+$0x14620] =	vst v7;
	v6 =	vmax.f32 v6, $0.0e+00;
	v13 =	vadd.f32 v2, v4  }
0x11a: {  	v8 =	vld [tilespmem:s25+$0x15A50];
	[tilespmem:s19+$0x14660] =	vst v6;
	v4 =	vmax.f32 v5, $0.0e+00  }
0x11b: {  	v7 =	vld [tilespmem:s25+$0x15A20];
	[tilespmem:s19+$0x14630] =	vst v4;
	v4 =	vmax.f32 v13, $0.0e+00;
	v2 =	vmov v12  }
0x11c: {  	v6 =	vld [tilespmem:s25+$0x15A60];
	[tilespmem:s19+$0x14670] =	vst v4;
	s19 =	smov.u32 s25  }
0x11d: {  	v5 =	vld [tilespmem:s19+$0x15A30]  }
0x11e: {  	v4 =	vld [tilespmem:s19+$0x15A70]  }
0x11f: {  	v12 =	vld [tilespmem:s19+$0x14600]  }
0x120: {  	v15 =	vld [tilespmem:s19+$0x14640]  }
.Ltmp4:
0x121: {  	v17 =	vld [tilespmem:s19+$0x14610];
	(pc) =	sbr.rel @p0 .LBB2_7-.Ltmp4, $4  }
0x122: {  	v14 =	vld [tilespmem:s19+$0x14650]  }
0x123: {  	v19 =	vshll.u32 v22, $0x10;
	v13 =	vld [tilespmem:s19+$0x14620]  }
0x124: {  	v18 =	vand.u32 $0xFFFF0000, v22;
	v16 =	vshll.u32 v23, $0x10;
	v21 =	vadd.f32 v10, v12;
	v12 =	vld [tilespmem:s19+$0x14660]  }
0x125: {  	s20 =	sadd.s32 $0x200, s20;
	v10 =	vshll.u32 v3, $0x10;
	v20 =	vadd.f32 v11, v15;
	v15 =	vand.u32 $0xFFFF0000, v23;
	v11 =	vld [tilespmem:s19+$0x14630]  }
0x126: {  	v19 =	vadd.f32 v19, v21;
	v9 =	vadd.f32 v9, v17;
	v3 =	vand.u32 $0xFFFF0000, v3;
	v60 =	vld [tilespmem:s19+$0x14670]  }
0x127: {  	v61 =	vshll.u32 v2, $0x10;
	v18 =	vadd.f32 v18, v20;
	v8 =	vadd.f32 v8, v14  }
0x128: {  	v19 =	vmax.f32 v19, $0.0e+00;
	v9 =	vadd.f32 v16, v9;
	v7 =	vadd.f32 v7, v13  }
0x129: {  	p0 =	seq.s32 s8, $0x7C;
	[tilespmem:s19+$0x14600] =	vst v19;
	v62 =	vmax.f32 v18, $0.0e+00;
	v8 =	vadd.f32 v15, v8;
	v6 =	vadd.f32 v6, v12  }
0x12a: {  	s18 =	sand.u32 @!p0 $0xFF, s18;
	[tilespmem:s19+$0x14640] =	vst v62;
	v9 =	vmax.f32 v9, $0.0e+00;
	v7 =	vadd.f32 v10, v7;
	v5 =	vadd.f32 v5, v11  }
0x12b: {  	p1 =	sne.s32 @!p0 s18, $0x4;
	[tilespmem:s19+$0x14610] =	vst v9;
	v8 =	vmax.f32 v8, $0.0e+00;
	v3 =	vadd.f32 v3, v6;
	v4 =	vadd.f32 v4, v60  }
0x12c: {  	v2 =	vand.u32 $0xFFFF0000, v2;
	p1 =	por p0, p1;
	[tilespmem:s19+$0x14650] =	vst v8;
	v63 =	vmax.f32 v7, $0.0e+00;
	v5 =	vadd.f32 v61, v5  }
.Ltmp5:
0x12d: {  	[tilespmem:s19+$0x14620] =	vst v63;
	v3 =	vmax.f32 v3, $0.0e+00;
	v2 =	vadd.f32 v2, v4;
	(pc) =	sbr.rel @p1 .LBB2_10-.Ltmp5, $4  }
0x12e: {  	[tilespmem:s19+$0x14660] =	vst v3;
	v3 =	vmax.f32 v5, $0.0e+00  }
0x12f: {  	[tilespmem:s19+$0x14630] =	vst v3;
	v2 =	vmax.f32 v2, $0.0e+00  }
0x130: {  	[tilespmem:s19+$0x14670] =	vst v2  }
0x131: {  	[spmem:s3] =	stream.indirect.scatter.add.f32 [tilespmem:s11], [sflag:$0x3], $0x80, s17, s16, $0xb8;
	[tilespmem:$0x1E600] =	vst v63  }
0x132: {  	s18 =	smulhi.u32 $0xCCCCCCCD, s8;
	_ =	sdelay $0x1  }
0x133: {  	s18 =	sshrl.u32 s18, $0x2  }
0x134: {  	s18 =	smul.u32 $0x190, s18;
	_ =	sdelay $0x1  }
0x135: {  	s18 =	sadd.s32 s18, s10  }
0x136: {  	s18 =	sshrl.u32 s18, $0x3  }
0x137: {  	s20 =	simm.s32 $0x14000;
	s19 =	sadd.s32 s7, s18  }
0x138: {  	[tilespmem:s20], [sflag:$0x5] =	stream.linear.gather [hbm4b:s19+s4], $0x190, $0x38;
	[tilespmem:$0x1E600] =	vst v63  }
0x139: {  	_ =	swait.ge [sflag:s12], $0x190  }
0x13a: {  	[sflag:s12] =	ssyncset.done $0x0  }
0x13b: {  	s25 =	simm.s32 $0x14200;
	s18 =	sadd.s32 s6, s18;
	[sflag:s12] =	ssyncadd.s32 $0xFFFFFE70  }
0x13c: {  	[tilespmem:s25], [sflag:$0x5] =	stream.linear.gather [hbm4b:s18+s4], $0x190, $0x38;
	[tilespmem:$0x1E600] =	vst v63  }
0x13d: {  	_ =	swait.ge [sflag:s12], $0x190  }
0x13e: {  	[sflag:s12] =	ssyncset.done $0x0  }
0x13f: {  	[sflag:s12] =	ssyncadd.s32 $0xFFFFFE70  }
0x140: {  	v2 =	vld [tilespmem:$0x14000];
	_ =	sdelay $0x7  }
0x141: {  	[tilespmem:v2+s15+$0x0] =	vst.idx.add.f32.msk $0xffff, v1  }
0x142: {  	v2 =	vld [tilespmem:$0x14010];
	_ =	sdelay $0x7  }
0x143: {  	[tilespmem:v2+s15+$0x0] =	vst.idx.add.f32.msk $0xffff, v1  }
0x144: {  	v2 =	vld [tilespmem:$0x14020];
	_ =	sdelay $0x7  }
0x145: {  	[tilespmem:v2+s15+$0x0] =	vst.idx.add.f32.msk $0xffff, v1  }
0x146: {  	v2 =	vld [tilespmem:$0x14030];
	_ =	sdelay $0x7  }
0x147: {  	[tilespmem:v2+s15+$0x0] =	vst.idx.add.f32.msk $0xffff, v1  }
0x148: {  	v2 =	vld [tilespmem:$0x14040];
	_ =	sdelay $0x7  }
0x149: {  	[tilespmem:v2+s15+$0x0] =	vst.idx.add.f32.msk $0xffff, v1  }
0x14a: {  	v2 =	vld [tilespmem:$0x14050];
	_ =	sdelay $0x7  }
0x14b: {  	[tilespmem:v2+s15+$0x0] =	vst.idx.add.f32.msk $0xffff, v1  }
0x14c: {  	v2 =	vld [tilespmem:$0x14060];
	_ =	sdelay $0x7  }
0x14d: {  	[tilespmem:v2+s15+$0x0] =	vst.idx.add.f32.msk $0xffff, v1  }
0x14e: {  	v2 =	vld [tilespmem:$0x14070];
	_ =	sdelay $0x7  }
0x14f: {  	[tilespmem:v2+s15+$0x0] =	vst.idx.add.f32.msk $0xffff, v1  }
0x150: {  	v2 =	vld [tilespmem:$0x14080];
	_ =	sdelay $0x7  }
0x151: {  	[tilespmem:v2+s15+$0x0] =	vst.idx.add.f32.msk $0xffff, v1  }
0x152: {  	v2 =	vld [tilespmem:$0x14090];
	_ =	sdelay $0x7  }
0x153: {  	[tilespmem:v2+s15+$0x0] =	vst.idx.add.f32.msk $0xffff, v1  }
0x154: {  	v2 =	vld [tilespmem:$0x140A0];
	_ =	sdelay $0x7  }
0x155: {  	[tilespmem:v2+s15+$0x0] =	vst.idx.add.f32.msk $0xffff, v1  }
0x156: {  	v2 =	vld [tilespmem:$0x140B0];
	_ =	sdelay $0x7  }
0x157: {  	[tilespmem:v2+s15+$0x0] =	vst.idx.add.f32.msk $0xffff, v1  }
0x158: {  	v2 =	vld [tilespmem:$0x140C0];
	_ =	sdelay $0x7  }
0x159: {  	[tilespmem:v2+s15+$0x0] =	vst.idx.add.f32.msk $0xffff, v1  }
0x15a: {  	v2 =	vld [tilespmem:$0x140D0];
	_ =	sdelay $0x7  }
0x15b: {  	[tilespmem:v2+s15+$0x0] =	vst.idx.add.f32.msk $0xffff, v1  }
0x15c: {  	v2 =	vld [tilespmem:$0x140E0];
	_ =	sdelay $0x7  }
0x15d: {  	[tilespmem:v2+s15+$0x0] =	vst.idx.add.f32.msk $0xffff, v1  }
0x15e: {  	v2 =	vld [tilespmem:$0x140F0];
	_ =	sdelay $0x7  }
0x15f: {  	[tilespmem:v2+s15+$0x0] =	vst.idx.add.f32.msk $0xffff, v1  }
0x160: {  	v2 =	vld [tilespmem:$0x14100];
	_ =	sdelay $0x7  }
0x161: {  	[tilespmem:v2+s15+$0x0] =	vst.idx.add.f32.msk $0xffff, v1  }
0x162: {  	v2 =	vld [tilespmem:$0x14110];
	_ =	sdelay $0x7  }
0x163: {  	[tilespmem:v2+s15+$0x0] =	vst.idx.add.f32.msk $0xffff, v1  }
0x164: {  	v2 =	vld [tilespmem:$0x14120];
	_ =	sdelay $0x7  }
0x165: {  	[tilespmem:v2+s15+$0x0] =	vst.idx.add.f32.msk $0xffff, v1  }
0x166: {  	v2 =	vld [tilespmem:$0x14130];
	_ =	sdelay $0x7  }
0x167: {  	[tilespmem:v2+s15+$0x0] =	vst.idx.add.f32.msk $0xffff, v1  }
0x168: {  	v2 =	vld [tilespmem:$0x14140];
	_ =	sdelay $0x7  }
0x169: {  	[tilespmem:v2+s15+$0x0] =	vst.idx.add.f32.msk $0xffff, v1  }
0x16a: {  	v2 =	vld [tilespmem:$0x14150];
	_ =	sdelay $0x7  }
0x16b: {  	[tilespmem:v2+s15+$0x0] =	vst.idx.add.f32.msk $0xffff, v1  }
0x16c: {  	v2 =	vld [tilespmem:$0x14160];
	_ =	sdelay $0x7  }
0x16d: {  	[tilespmem:v2+s15+$0x0] =	vst.idx.add.f32.msk $0xffff, v1  }
0x16e: {  	v2 =	vld [tilespmem:$0x14170];
	_ =	sdelay $0x7  }
0x16f: {  	[tilespmem:v2+s15+$0x0] =	vst.idx.add.f32.msk $0xffff, v1  }
0x170: {  	v2 =	vld [tilespmem:$0x14180];
	_ =	sdelay $0x7  }
0x171: {  	[tilespmem:v2+s15+$0x0] =	vst.idx.add.f32.msk $0xffff, v1  }
.LBB2_11:
0x172: {  	_ =	swait.ge [sflag:s30], $0x1400  }
0x173: {  	p0 =	seq.s32 s0, $0x4;
	s0 =	sadd.s32 $0x50, s13;
	[sflag:s30] =	ssyncset.done $0x0  }
0x174: {  	s0 =	simm.s32 @p0 $0x0;
	[sflag:s30] =	ssyncadd.s32 $0xFFFFEC00  }
0x175: {  	v2 =	vld [tilespmem:s0+$0x14000];
	_ =	sdelay $0x4  }
0x176: {  	[tilespmem:$0x14400] =	vst v2  }
0x177: {  	v2 =	vld [tilespmem:s0+$0x14010];
	_ =	sdelay $0x4  }
0x178: {  	[tilespmem:$0x14410] =	vst v2  }
0x179: {  	v2 =	vld [tilespmem:s0+$0x14018];
	_ =	sdelay $0x4  }
0x17a: {  	[tilespmem:$0x14418] =	vst v2  }
0x17b: {  	v2 =	vld [tilespmem:s0+$0x14200];
	_ =	sdelay $0x4  }
0x17c: {  	[tilespmem:$0x14480] =	vst v2  }
0x17d: {  	v2 =	vld [tilespmem:s0+$0x14210];
	_ =	sdelay $0x4  }
0x17e: {  	[tilespmem:$0x14490] =	vst v2  }
0x17f: {  	v2 =	vld [tilespmem:s0+$0x14218];
	_ =	sdelay $0x4  }
0x180: {  	[tilespmem:$0x14498] =	vst v2  }
0x181: {  	[tilespmem:s11], [sflag:$0x1] =	stream.indirect.gather [hbm4b:s1+s16], $0x80, s17, s16, $0xb8;
	[tilespmem:$0x1E600] =	vst v63  }
0x182: {  	s18 =	simm.s32 $0x14480;
	s19 =	simm.s32 $0x15A00  }
0x183: {  	[tilespmem:s19], [sflag:$0x1] =	stream.indirect.gather [hbm4b:s5+s16], $0x80, s18, s16, $0xb8;
	[tilespmem:$0x1E600] =	vst v63  }
0x184: {  	s20 =	sadd.s32 s14, s22;
	s25 =	simm.s32 $0x16E00  }
0x185: {  	[tilespmem:s25], [sflag:$0x1] =	stream.linear.gather [hbm4b:s20+s4], $0x1400, $0x38;
	[tilespmem:$0x1E600] =	vst v63  }
.LBB2_12:
0x186: {  	_ =	swait.ge [sflag:s31], $0x1400  }
0x187: {  	[sflag:s31] =	ssyncset.done $0x0  }
0x188: {  	[sflag:s31] =	ssyncadd.s32 $0xFFFFEC00  }
0x189: {  	_ =	swait.ge [sflag:s31], $0x1400  }
0x18a: {  	[sflag:s31] =	ssyncset.done $0x0  }
0x18b: {  	[sflag:s31] =	ssyncadd.s32 $0xFFFFEC00  }
0x18c: {  	_ =	swait.ge [sflag:s31], $0x1400  }
0x18d: {  	[sflag:s31] =	ssyncset.done $0x0  }
0x18e: {  	s0 =	simm.s32 $0x0;
	[sflag:s31] =	ssyncadd.s32 $0xFFFFEC00  }
0x18f: {  	v10 =	vld [tilespmem:s0+$0x1AA00]  }
0x190: {  	v11 =	vld [tilespmem:s0+$0x1AA10]  }
0x191: {  	v3 =	vld [tilespmem:s0+$0x1AA20]  }
0x192: {  	v2 =	vld [tilespmem:s0+$0x1AA30]  }
0x193: {  	v12 =	vld [tilespmem:s0+$0x19600]  }
0x194: {  	v15 =	vld [tilespmem:s0+$0x19640]  }
0x195: {  	v9 =	vld [tilespmem:s0+$0x19610]  }
0x196: {  	v8 =	vld [tilespmem:s0+$0x19650]  }
0x197: {  	v7 =	vld [tilespmem:s0+$0x19620]  }
0x198: {  	v6 =	vld [tilespmem:s0+$0x19660]  }
0x199: {  	v5 =	vld [tilespmem:s0+$0x19630]  }
0x19a: {  	v4 =	vld [tilespmem:s0+$0x19670]  }
0x19b: {  	v16 =	vld [tilespmem:s0+$0x18200]  }
0x19c: {  	v20 =	vld [tilespmem:s0+$0x18240]  }
0x19d: {  	v17 =	vld [tilespmem:s0+$0x18210]  }
0x19e: {  	v14 =	vld [tilespmem:s0+$0x18250]  }
0x19f: {  	v13 =	vld [tilespmem:s0+$0x18220];
	v19 =	vshll.u32 v10, $0x10  }
0x1a0: {  	v18 =	vand.u32 $0xFFFF0000, v10;
	v21 =	vadd.f32 v12, v16;
	v16 =	vshll.u32 v11, $0x10;
	v12 =	vld [tilespmem:s0+$0x18260]  }
0x1a1: {  	s13 =	simm.s32 $0x200;
	v20 =	vadd.f32 v15, v20;
	v15 =	vand.u32 $0xFFFF0000, v11;
	v10 =	vshll.u32 v3, $0x10;
	v11 =	vld [tilespmem:s0+$0x18230]  }
.LBB2_13:
0x1a2: {  	s14 =	sshra.s32 s13, $0x2;
	p0 =	sne.s32 s13, $0x4E00;
	v19 =	vadd.f32 v19, v21;
	v9 =	vadd.f32 v9, v17;
	v17 =	vand.u32 $0xFFFF0000, v3;
	v21 =	vld [tilespmem:s0+$0x18270]  }
0x1a3: {  	v22 =	vld [tilespmem:s14+$0x1AA00];
	v18 =	vadd.f32 v18, v20;
	v8 =	vadd.f32 v8, v14;
	v14 =	vshll.u32 v2, $0x10  }
0x1a4: {  	v23 =	vld [tilespmem:s14+$0x1AA10];
	v19 =	vmax.f32 v19, $0.0e+00;
	v9 =	vadd.f32 v16, v9;
	v7 =	vadd.f32 v7, v13  }
0x1a5: {  	v3 =	vld [tilespmem:s14+$0x1AA20];
	[tilespmem:s0+$0x18200] =	vst v19;
	v13 =	vmax.f32 v18, $0.0e+00;
	v8 =	vadd.f32 v15, v8;
	v6 =	vadd.f32 v6, v12  }
0x1a6: {  	v12 =	vld [tilespmem:s14+$0x1AA30];
	[tilespmem:s0+$0x18240] =	vst v13;
	v9 =	vmax.f32 v9, $0.0e+00;
	v7 =	vadd.f32 v10, v7;
	v5 =	vadd.f32 v5, v11  }
0x1a7: {  	v10 =	vld [tilespmem:s14+$0x19600];
	[tilespmem:s0+$0x18210] =	vst v9;
	v8 =	vmax.f32 v8, $0.0e+00;
	v6 =	vadd.f32 v17, v6;
	v4 =	vadd.f32 v4, v21  }
0x1a8: {  	v2 =	vand.u32 $0xFFFF0000, v2;
	v11 =	vld [tilespmem:s14+$0x19640];
	[tilespmem:s0+$0x18250] =	vst v8;
	v7 =	vmax.f32 v7, $0.0e+00;
	v5 =	vadd.f32 v14, v5  }
0x1a9: {  	v9 =	vld [tilespmem:s14+$0x19610];
	[tilespmem:s0+$0x18220] =	vst v7;
	v6 =	vmax.f32 v6, $0.0e+00;
	v13 =	vadd.f32 v2, v4  }
0x1aa: {  	v8 =	vld [tilespmem:s14+$0x19650];
	[tilespmem:s0+$0x18260] =	vst v6;
	v4 =	vmax.f32 v5, $0.0e+00  }
0x1ab: {  	v7 =	vld [tilespmem:s14+$0x19620];
	[tilespmem:s0+$0x18230] =	vst v4;
	v4 =	vmax.f32 v13, $0.0e+00;
	v2 =	vmov v12  }
0x1ac: {  	v6 =	vld [tilespmem:s14+$0x19660];
	[tilespmem:s0+$0x18270] =	vst v4;
	s0 =	smov.u32 s14  }
0x1ad: {  	v5 =	vld [tilespmem:s0+$0x19630]  }
0x1ae: {  	v4 =	vld [tilespmem:s0+$0x19670]  }
0x1af: {  	v12 =	vld [tilespmem:s0+$0x18200]  }
0x1b0: {  	v15 =	vld [tilespmem:s0+$0x18240]  }
.Ltmp6:
0x1b1: {  	v17 =	vld [tilespmem:s0+$0x18210];
	(pc) =	sbr.rel @p0 .LBB2_13-.Ltmp6, $4  }
0x1b2: {  	v14 =	vld [tilespmem:s0+$0x18250]  }
0x1b3: {  	v19 =	vshll.u32 v22, $0x10;
	v13 =	vld [tilespmem:s0+$0x18220]  }
0x1b4: {  	v18 =	vand.u32 $0xFFFF0000, v22;
	v16 =	vshll.u32 v23, $0x10;
	v21 =	vadd.f32 v10, v12;
	v12 =	vld [tilespmem:s0+$0x18260]  }
0x1b5: {  	s13 =	sadd.s32 $0x200, s13;
	v10 =	vshll.u32 v3, $0x10;
	v20 =	vadd.f32 v11, v15;
	v15 =	vand.u32 $0xFFFF0000, v23;
	v11 =	vld [tilespmem:s0+$0x18230]  }
0x1b6: {  	v19 =	vadd.f32 v19, v21;
	v9 =	vadd.f32 v9, v17;
	v3 =	vand.u32 $0xFFFF0000, v3;
	v60 =	vld [tilespmem:s0+$0x18270]  }
0x1b7: {  	v61 =	vshll.u32 v2, $0x10;
	v18 =	vadd.f32 v18, v20;
	v8 =	vadd.f32 v8, v14  }
0x1b8: {  	v19 =	vmax.f32 v19, $0.0e+00;
	v9 =	vadd.f32 v16, v9;
	v7 =	vadd.f32 v7, v13  }
0x1b9: {  	[tilespmem:s0+$0x18200] =	vst v19;
	v62 =	vmax.f32 v18, $0.0e+00;
	v8 =	vadd.f32 v15, v8;
	v6 =	vadd.f32 v6, v12  }
0x1ba: {  	[tilespmem:s0+$0x18240] =	vst v62;
	v9 =	vmax.f32 v9, $0.0e+00;
	v7 =	vadd.f32 v10, v7;
	v5 =	vadd.f32 v5, v11  }
0x1bb: {  	s8 =	sadd.s32 $0x1, s8;
	[tilespmem:s0+$0x18210] =	vst v9;
	v8 =	vmax.f32 v8, $0.0e+00;
	v3 =	vadd.f32 v3, v6;
	v4 =	vadd.f32 v4, v60  }
0x1bc: {  	v2 =	vand.u32 $0xFFFF0000, v2;
	p0 =	sne.s32 s8, $0x7D;
	[tilespmem:s0+$0x18250] =	vst v8;
	v63 =	vmax.f32 v7, $0.0e+00;
	v5 =	vadd.f32 v61, v5  }
.Ltmp7:
0x1bd: {  	[tilespmem:s0+$0x18220] =	vst v63;
	v3 =	vmax.f32 v3, $0.0e+00;
	v2 =	vadd.f32 v2, v4;
	(pc) =	sbr.rel @p0 .LBB2_6-.Ltmp7, $4  }
.Ltmp8:
0x1be: {  	[tilespmem:s0+$0x18260] =	vst v3;
	v3 =	vmax.f32 v5, $0.0e+00;
	(pc) =	sbr.rel @!p0 .LBB2_15-.Ltmp8, $4  }
0x1bf: {  	[tilespmem:s0+$0x18230] =	vst v3;
	v2 =	vmax.f32 v2, $0.0e+00  }
0x1c0: {  	[tilespmem:s0+$0x18270] =	vst v2  }
0x1c1: {  	[spmem:s3] =	stream.indirect.scatter.add.f32 [tilespmem:s24], [sflag:$0x4], $0x80, s23, s16, $0xb8;
	[tilespmem:$0x1E600] =	vst v63  }
0x1c2: {  	_ = 	snop  }
.LBB2_10:
.Ltmp9:
0x1c3: {  	(pc) =	sbr.rel @p0 .LBB2_12-.Ltmp9, $4  }
.Ltmp10:
0x1c4: {  	(pc) =	sbr.rel @!p0 .LBB2_11-.Ltmp10, $4  }
0x1c5: {  	_ = 	snop  }
0x1c6: {  	_ = 	snop  }
0x1c7: {  	_ = 	snop  }
0x1c8: {  	_ = 	snop  }
.LBB2_16:
0x1c9: {  	_ =	sfence.sel $0x180000  }
0x1ca: {  	[bflag:$0x0] =	sbarrier.arrive $0xFFFF  }
0x1cb: {  	_ =	strace $0x90000047  }
0x1cc: {  	s0 =	stileid.u32;
	[bflag:$0x2] =	sbarrier.arrive $0xFFFF  }
0x1cd: {  	p0 =	sne.s32 s0, $0x0;
	s0 =	rddreg [dreg:$0x3]  }
0x1ce: {  	s0 =	sadd.s32 @!p0 $0x100000, s0  }
0x1cf: {  	[sflag:s0] =	ssyncadd.tile.s32 @!p0 $0x1;
	_ =	shalt  }
.Lfunc_end2:
_tile_overlayer_lowered:
.L_overlay_start_2:
0x1d0: {  	(tag) =	ssettag $0x2  }
0x1d1: {  	s0 =	rddreg [dreg:$0x0];
	s2 =	stileid.u32  }
0x1d2: {  	s1 =	rddreg [dreg:$0x1];
	p0 =	sne.s32 s2, $0x0  }
0x1d3: {  	s3 =	rddreg [dreg:$0x2];
	[bflag:$0x3] =	sbarrier.arrive $0xFFFF;
	s2 =	simm.s32 @!p0 $0x1C05  }
0x1d4: {  	[timem:s3], [sflag:s2] =	dma.local @!p0 [hbm:s0], s1  }
0x1d5: {  	s0 =	simm.s32 @!p0 $0x5  }
0x1d6: {  	_ =	swait.ge @!p0 [sflag:s0], s1  }
0x1d7: {  	s1 =	ssub.s32 @!p0 $0x0, s1;
	[sflag:s0] =	ssyncset.done @!p0 $0x0  }
0x1d8: {  	[sflag:s0] =	ssyncadd.s32 @!p0 s1  }
0x1d9: {  	[bflag:$0x3] =	sbarrier.arrive $0xFFFF  }
0x1da: {  	_ =	shalt  }

</sc_bundles>
